<compile_context>
chip_gen: v7x
topology: tpu7x:2x2x1
jax: 0.10.2.dev20260603
libtpu: 0.0.44.dev20260713+nightly
codegen_flags: <defaults>
</compile_context>

<pallas_src>
import functools

import jax
import jax.numpy as jnp
from jax import lax
from jax.experimental import pallas as pl
from jax.experimental.pallas import tpu as pltpu
from jax.experimental.pallas import tpu_sc as plsc


def _sc_kernel(B, F, h, w):
    hw = h * w
    C = 2 * F
    NC, NS, L = 2, 16, 16
    n_cg = 4
    n_bg = NS // (n_cg // NC)
    c_per = C // n_cg
    b_per = B // n_bg
    assert c_per * n_cg == C and b_per * n_bg == B
    assert w % L == 0 and h % L == 0
    tab_stage = c_per * w
    n_x_chunks = w // L
    mesh = plsc.VectorSubcoreMesh(core_axis_name="c", subcore_axis_name="s")

    @functools.partial(
        pl.kernel,
        mesh=mesh,
        out_type=jax.ShapeDtypeStruct((B, C, hw), jnp.float32),
        scratch_types=[
            pltpu.VMEM((tab_stage,), jnp.float32),
            pltpu.VMEM((c_per, hw), jnp.float32),
            pltpu.SemaphoreType.DMA,
        ],
    )
    def k(rowT_hbm, colT_hbm, out_hbm, tab_v, buf_v, sem):
        core = lax.axis_index("c")
        sub = lax.axis_index("s")
        half = sub // n_bg
        bgroup = sub % n_bg
        cgroup = core * NC + half

        t_lo = half * tab_stage

        @pl.when(core == 0)
        def _():
            pltpu.sync_copy(colT_hbm.at[pl.ds(t_lo, tab_stage)],
                            tab_v.at[pl.ds(0, tab_stage)])

        @pl.when(core == 1)
        def _():
            pltpu.sync_copy(rowT_hbm.at[pl.ds(t_lo, tab_stage)],
                            tab_v.at[pl.ds(0, tab_stage)])

        @pl.when(core == 0)
        def _():
            def jloop(j, _):
                chunks = [tab_v[pl.ds(j * w + q * L, L)] for q in range(n_x_chunks)]
                for y in range(h):
                    for q in range(n_x_chunks):
                        buf_v[j, pl.ds(y * w + q * L, L)] = chunks[q]
                return 0

            lax.fori_loop(0, c_per, jloop, 0)

        @pl.when(core == 1)
        def _():
            def jloop(j, _):
                yvecs = [tab_v[pl.ds(j * h + q * L, L)] for q in range(h // L)]
                for y in range(h):
                    val = jnp.full((L,), yvecs[y // L][y % L], jnp.float32)
                    for q in range(n_x_chunks):
                        buf_v[j, pl.ds(y * w + q * L, L)] = val
                return 0

            lax.fori_loop(0, c_per, jloop, 0)

        ch_lo = cgroup * c_per
        b_lo = bgroup * b_per
        for i in range(b_per):
            pltpu.make_async_copy(
                buf_v, out_hbm.at[b_lo + i, pl.ds(ch_lo, c_per), :], sem
            ).start()
        for i in range(b_per):
            pltpu.make_async_copy(
                buf_v, out_hbm.at[b_lo + i, pl.ds(ch_lo, c_per), :], sem
            ).wait()

    return k


def kernel(token_tensors, row_embed_w, col_embed_w):
    B, _, h, w = token_tensors.shape
    F = row_embed_w.shape[1]
    rowT = row_embed_w.T.reshape(-1)
    colT = col_embed_w.T.reshape(-1)
    out = _sc_kernel(B, F, h, w)(rowT, colT)
    return out.reshape(B, 2 * F, h, w)

# --- scband reference (transcript-rebuilt; emitter-appended) ---
"""Pipeline reference for scband-position-embedding-learned-8108898255290 (READ-ONLY COPY).

The authoritative reference and input builder live on the scoring server;
editing this copy changes nothing except your own understanding.
"""

import jax, jax.numpy as jnp
import numpy as np


def setup_inputs(seed: int = 0) -> dict:
    key = jax.random.key(seed)
    k1, k2, k3 = jax.random.split(key, 3)
    token_tensors = jax.random.normal(k1, (64, 256, 32, 32), dtype=jnp.float32)
    # learned parameters (nn.init.uniform_ -> U[0,1))
    row_embed_w = jax.random.uniform(k2, (32, 128), dtype=jnp.float32)  # n_pos_y x num_pos_feats
    col_embed_w = jax.random.uniform(k3, (32, 128), dtype=jnp.float32)  # n_pos_x x num_pos_feats
    return {"token_tensors": token_tensors, "row_embed_w": row_embed_w, "col_embed_w": col_embed_w}


def reference(token_tensors, row_embed_w, col_embed_w):
    h = token_tensors.shape[-2]
    w = token_tensors.shape[-1]
    b = token_tensors.shape[0]
    i = jnp.arange(w)
    j = jnp.arange(h)
    x_emb = jnp.take(col_embed_w, i, axis=0)  # [w, F]
    y_emb = jnp.take(row_embed_w, j, axis=0)  # [h, F]
    pos = jnp.concatenate(
        [
            jnp.tile(x_emb[None, :, :], (h, 1, 1)),  # [h, w, F]
            jnp.tile(y_emb[:, None, :], (1, w, 1)),  # [h, w, F]
        ],
        axis=-1,
    )  # [h, w, 2F]
    pos = jnp.transpose(pos, (2, 0, 1))  # [2F, h, w]
    batch_pos = jnp.tile(pos[None, :, :, :], (b, 1, 1, 1))  # [B, 2F, h, w]
    return batch_pos

if __name__ == "__main__":
    import jax
    _d = setup_inputs()
    print(jax.jit(kernel)(*tuple(_d.values())))

</pallas_src>

<mosaic_0001>
#map = affine_map<(d0, d1) -> (0)>
#map1 = affine_map<(d0, d1) -> (0, 0, 0)>
module attributes {stable_mosaic.version = 14 : i64} {
  func.func @k(%arg0: i32, %arg1: i32, %arg2: memref<4096xf32, #tpu.memory_space<hbm>>, %arg3: memref<4096xf32, #tpu.memory_space<hbm>>, %arg4: memref<64x256x1024xf32, #tpu.memory_space<hbm>>, %arg5: memref<2048xf32, #tpu.memory_space<vmem>>, %arg6: memref<64x1024xf32, #tpu.memory_space<vmem>>, %arg7: memref<!tpu.dma_semaphore, #tpu.memory_space<semaphore_mem>>) attributes {dimension_semantics = [#tpu.dimension_semantics<core_parallel>, #tpu.dimension_semantics<subcore_parallel>], iteration_bounds = array<i64: 2, 16>, scalar_prefetch = 0 : i64, scratch_operands = 3 : i64, tpu.core_type = #tpu.core_type<sc_vector_subcore>, window_params = [{transform_indices = #map}, {transform_indices = #map}, {transform_indices = #map1}]} {
    %jit3A = arith.constant 8 : i32
    %div3A = arith.divsi %arg1, %jit3A : i32
    %sign3A = arith.constant 0 : i32
    %sign3A_0 = arith.cmpi sgt, %arg1, %sign3A : i32
    %sign3A_1 = arith.extui %sign3A_0 : i1 to i32
    %sign3A_2 = arith.constant 0 : i32
    %sign3A_3 = arith.cmpi slt, %arg1, %sign3A_2 : i32
    %sign3A_4 = arith.extui %sign3A_3 : i1 to i32
    %sign3A_5 = arith.subi %sign3A_1, %sign3A_4 : i32
    %sign3A_6 = arith.constant 0 : i32
    %sign3A_7 = arith.cmpi sgt, %jit3A, %sign3A_6 : i32
    %sign3A_8 = arith.extui %sign3A_7 : i1 to i32
    %sign3A_9 = arith.constant 0 : i32
    %sign3A_10 = arith.cmpi slt, %jit3A, %sign3A_9 : i32
    %sign3A_11 = arith.extui %sign3A_10 : i1 to i32
    %sign3A_12 = arith.subi %sign3A_8, %sign3A_11 : i32
    %ne3A = arith.cmpi ne, %sign3A_5, %sign3A_12 : i32
    %rem3A = arith.remsi %arg1, %jit3A : i32
    %ne3A_13 = arith.constant 0 : i32
    %ne3A_14 = arith.cmpi ne, %rem3A, %ne3A_13 : i32
    %and3A = arith.andi %ne3A, %ne3A_14 : i1
    %sub3A = arith.constant 1 : i32
    %sub3A_15 = arith.subi %div3A, %sub3A : i32
    %select_n3A = arith.select %and3A, %sub3A_15, %div3A : i32
    %jit3A_16 = arith.constant 8 : i32
    %eq3A = arith.constant 0 : i32
    %eq3A_17 = arith.cmpi eq, %jit3A_16, %eq3A : i32
    %jit3A_18 = arith.constant 1 : i32
    %select_n3A_19 = arith.select %eq3A_17, %jit3A_18, %jit3A_16 : i32
    %rem3A_20 = arith.remsi %arg1, %select_n3A_19 : i32
    %ne3A_21 = arith.constant 0 : i32
    %ne3A_22 = arith.cmpi ne, %rem3A_20, %ne3A_21 : i32
    %lt3A = arith.constant 0 : i32
    %lt3A_23 = arith.cmpi slt, %rem3A_20, %lt3A : i32
    %lt3A_24 = arith.constant 0 : i32
    %lt3A_25 = arith.cmpi slt, %select_n3A_19, %lt3A_24 : i32
    %ne3A_26 = arith.xori %lt3A_23, %lt3A_25 : i1
    %and3A_27 = arith.andi %ne3A_26, %ne3A_22 : i1
    %add3A = arith.addi %rem3A_20, %select_n3A_19 : i32
    %select_n3A_28 = arith.select %and3A_27, %add3A, %rem3A_20 : i32
    %mul3A = arith.constant 2 : i32
    %mul3A_29 = arith.muli %arg0, %mul3A : i32
    %add3A_30 = arith.addi %mul3A_29, %select_n3A : i32
    %mul3A_31 = arith.constant 2048 : i32
    %mul3A_32 = arith.muli %select_n3A, %mul3A_31 : i32
    %eq3A_33 = arith.constant 0 : i32
    %eq3A_34 = arith.cmpi eq, %arg0, %eq3A_33 : i32
    %convert_element_type3A = arith.extui %eq3A_34 : i1 to i32
    %cond3A = arith.constant 0 : i32
    %cond3A_35 = arith.cmpi ne, %convert_element_type3A, %cond3A : i32
    scf.if %cond3A_35 {
      "tpu.region"() ({
        %run_scoped3A = tpu.sem_alloc : memref<!tpu.dma_semaphore, #tpu.memory_space<semaphore_mem>>
        %dma_start3A_181 = arith.constant 0 : i32
        %dma_start3A_182 = tpu.memref_slice %arg5[%dma_start3A_181] : memref<2048xf32, #tpu.memory_space<vmem>> -> memref<2048xf32, #tpu.memory_space<vmem>>
        %dma_start3A_183 = tpu.memref_slice %arg3[%mul3A_32] : memref<4096xf32, #tpu.memory_space<hbm>> -> memref<2048xf32, #tpu.memory_space<hbm>>
        %dma_start3A_184 = arith.constant 0 : i32
        %dma_start3A_185 = tpu.memref_slice %arg5[%dma_start3A_184] : memref<2048xf32, #tpu.memory_space<vmem>> -> memref<2048xf32, #tpu.memory_space<vmem>>
        %dma_start3A_186 = tpu.memref_slice %arg3[%mul3A_32] : memref<4096xf32, #tpu.memory_space<hbm>> -> memref<2048xf32, #tpu.memory_space<hbm>>
        tpu.enqueue_dma source(%dma_start3A_186 : memref<2048xf32, #tpu.memory_space<hbm>>) target(%dma_start3A_185 : memref<2048xf32, #tpu.memory_space<vmem>>) target_semaphore(%run_scoped3A : memref<!tpu.dma_semaphore, #tpu.memory_space<semaphore_mem>>)
        %dma_wait3A_187 = arith.constant 0 : i32
        %dma_wait3A_188 = tpu.memref_slice %arg5[%dma_wait3A_187] : memref<2048xf32, #tpu.memory_space<vmem>> -> memref<2048xf32, #tpu.memory_space<vmem>>
        %dma_wait3A_189 = tpu.memref_slice %arg3[%mul3A_32] : memref<4096xf32, #tpu.memory_space<hbm>> -> memref<2048xf32, #tpu.memory_space<hbm>>
        %dma_wait3A_190 = arith.constant 0 : i32
        %dma_wait3A_191 = tpu.memref_slice %arg5[%dma_wait3A_190] : memref<2048xf32, #tpu.memory_space<vmem>> -> memref<2048xf32, #tpu.memory_space<vmem>>
        %dma_wait3A_192 = tpu.memref_slice %arg3[%mul3A_32] : memref<4096xf32, #tpu.memory_space<hbm>> -> memref<2048xf32, #tpu.memory_space<hbm>>
        tpu.wait_dma2 semaphore(%run_scoped3A : memref<!tpu.dma_semaphore, #tpu.memory_space<semaphore_mem>>) src(%dma_wait3A_192 : memref<2048xf32, #tpu.memory_space<hbm>>) dst(%dma_wait3A_191 : memref<2048xf32, #tpu.memory_space<vmem>>)
        tpu.yield
      }) : () -> ()
    } else {
    }
    %eq3A_36 = arith.constant 1 : i32
    %eq3A_37 = arith.cmpi eq, %arg0, %eq3A_36 : i32
    %convert_element_type3A_38 = arith.extui %eq3A_37 : i1 to i32
    %cond3A_39 = arith.constant 0 : i32
    %cond3A_40 = arith.cmpi ne, %convert_element_type3A_38, %cond3A_39 : i32
    scf.if %cond3A_40 {
      "tpu.region"() ({
        %run_scoped3A = tpu.sem_alloc : memref<!tpu.dma_semaphore, #tpu.memory_space<semaphore_mem>>
        %dma_start3A_181 = arith.constant 0 : i32
        %dma_start3A_182 = tpu.memref_slice %arg5[%dma_start3A_181] : memref<2048xf32, #tpu.memory_space<vmem>> -> memref<2048xf32, #tpu.memory_space<vmem>>
        %dma_start3A_183 = tpu.memref_slice %arg2[%mul3A_32] : memref<4096xf32, #tpu.memory_space<hbm>> -> memref<2048xf32, #tpu.memory_space<hbm>>
        %dma_start3A_184 = arith.constant 0 : i32
        %dma_start3A_185 = tpu.memref_slice %arg5[%dma_start3A_184] : memref<2048xf32, #tpu.memory_space<vmem>> -> memref<2048xf32, #tpu.memory_space<vmem>>
        %dma_start3A_186 = tpu.memref_slice %arg2[%mul3A_32] : memref<4096xf32, #tpu.memory_space<hbm>> -> memref<2048xf32, #tpu.memory_space<hbm>>
        tpu.enqueue_dma source(%dma_start3A_186 : memref<2048xf32, #tpu.memory_space<hbm>>) target(%dma_start3A_185 : memref<2048xf32, #tpu.memory_space<vmem>>) target_semaphore(%run_scoped3A : memref<!tpu.dma_semaphore, #tpu.memory_space<semaphore_mem>>)
        %dma_wait3A_187 = arith.constant 0 : i32
        %dma_wait3A_188 = tpu.memref_slice %arg5[%dma_wait3A_187] : memref<2048xf32, #tpu.memory_space<vmem>> -> memref<2048xf32, #tpu.memory_space<vmem>>
        %dma_wait3A_189 = tpu.memref_slice %arg2[%mul3A_32] : memref<4096xf32, #tpu.memory_space<hbm>> -> memref<2048xf32, #tpu.memory_space<hbm>>
        %dma_wait3A_190 = arith.constant 0 : i32
        %dma_wait3A_191 = tpu.memref_slice %arg5[%dma_wait3A_190] : memref<2048xf32, #tpu.memory_space<vmem>> -> memref<2048xf32, #tpu.memory_space<vmem>>
        %dma_wait3A_192 = tpu.memref_slice %arg2[%mul3A_32] : memref<4096xf32, #tpu.memory_space<hbm>> -> memref<2048xf32, #tpu.memory_space<hbm>>
        tpu.wait_dma2 semaphore(%run_scoped3A : memref<!tpu.dma_semaphore, #tpu.memory_space<semaphore_mem>>) src(%dma_wait3A_192 : memref<2048xf32, #tpu.memory_space<hbm>>) dst(%dma_wait3A_191 : memref<2048xf32, #tpu.memory_space<vmem>>)
        tpu.yield
      }) : () -> ()
    } else {
    }
    %eq3A_41 = arith.constant 0 : i32
    %eq3A_42 = arith.cmpi eq, %arg0, %eq3A_41 : i32
    %convert_element_type3A_43 = arith.extui %eq3A_42 : i1 to i32
    %cond3A_44 = arith.constant 0 : i32
    %cond3A_45 = arith.cmpi ne, %convert_element_type3A_43, %cond3A_44 : i32
    scf.if %cond3A_45 {
      %scan3A = arith.constant 0 : i32
      %scan3A_181 = arith.constant 0 : i32
      %scan3A_182 = arith.constant 64 : i32
      %scan3A_183 = arith.addi %scan3A_181, %scan3A_182 : i32
      %scan3A_184 = arith.constant 1 : i32
      %scan3A_185 = scf.for %scan3A_187 = %scan3A_181 to %scan3A_183 step %scan3A_184 iter_args(%scan3A_188 = %scan3A) -> (i32)  : i32 {
        %mul3A_189 = arith.constant 32 : i32
        %mul3A_190 = arith.muli %scan3A_187, %mul3A_189 : i32
        %add3A_191 = arith.constant 0 : i32
        %add3A_192 = arith.addi %mul3A_190, %add3A_191 : i32
        %get3A = arith.index_cast %add3A_192 : i32 to index
        %get3A_193 = tpu.vector_load %arg5[%get3A] {strides = array<i32>} : memref<2048xf32, #tpu.memory_space<vmem>>, vector<16xf32>,
        %get3A_194 = vector.shape_cast %get3A_193 : vector<16xf32> to vector<16xf32>
        %mul3A_195 = arith.constant 32 : i32
        %mul3A_196 = arith.muli %scan3A_187, %mul3A_195 : i32
        %add3A_197 = arith.constant 16 : i32
        %add3A_198 = arith.addi %mul3A_196, %add3A_197 : i32
        %get3A_199 = arith.index_cast %add3A_198 : i32 to index
        %get3A_200 = tpu.vector_load %arg5[%get3A_199] {strides = array<i32>} : memref<2048xf32, #tpu.memory_space<vmem>>, vector<16xf32>,
        %get3A_201 = vector.shape_cast %get3A_200 : vector<16xf32> to vector<16xf32>
        %swap3A = arith.index_cast %scan3A_187 : i32 to index
        %swap3A_202 = arith.constant 0 : index
        %swap3A_203 = tpu.vector_load %arg6[%swap3A, %swap3A_202] {strides = array<i32>} : memref<64x1024xf32, #tpu.memory_space<vmem>>, vector<1x16xf32>,
        %swap3A_204 = vector.shape_cast %swap3A_203 : vector<1x16xf32> to vector<16xf32>
        %swap3A_205 = vector.shape_cast %get3A_194 : vector<16xf32> to vector<1x16xf32>
        tpu.vector_store %arg6[%swap3A, %swap3A_202], %swap3A_205 {strides = array<i32>} : memref<64x1024xf32, #tpu.memory_space<vmem>>, vector<1x16xf32>,
        %swap3A_206 = arith.index_cast %scan3A_187 : i32 to index
        %swap3A_207 = arith.constant 16 : index
        %swap3A_208 = tpu.vector_load %arg6[%swap3A_206, %swap3A_207] {strides = array<i32>} : memref<64x1024xf32, #tpu.memory_space<vmem>>, vector<1x16xf32>,
        %swap3A_209 = vector.shape_cast %swap3A_208 : vector<1x16xf32> to vector<16xf32>
        %swap3A_210 = vector.shape_cast %get3A_201 : vector<16xf32> to vector<1x16xf32>
        tpu.vector_store %arg6[%swap3A_206, %swap3A_207], %swap3A_210 {strides = array<i32>} : memref<64x1024xf32, #tpu.memory_space<vmem>>, vector<1x16xf32>,
        %swap3A_211 = arith.index_cast %scan3A_187 : i32 to index
        %swap3A_212 = arith.constant 32 : index
        %swap3A_213 = tpu.vector_load %arg6[%swap3A_211, %swap3A_212] {strides = array<i32>} : memref<64x1024xf32, #tpu.memory_space<vmem>>, vector<1x16xf32>,
        %swap3A_214 = vector.shape_cast %swap3A_213 : vector<1x16xf32> to vector<16xf32>
        %swap3A_215 = vector.shape_cast %get3A_194 : vector<16xf32> to vector<1x16xf32>
        tpu.vector_store %arg6[%swap3A_211, %swap3A_212], %swap3A_215 {strides = array<i32>} : memref<64x1024xf32, #tpu.memory_space<vmem>>, vector<1x16xf32>,
        %swap3A_216 = arith.index_cast %scan3A_187 : i32 to index
        %swap3A_217 = arith.constant 48 : index
        %swap3A_218 = tpu.vector_load %arg6[%swap3A_216, %swap3A_217] {strides = array<i32>} : memref<64x1024xf32, #tpu.memory_space<vmem>>, vector<1x16xf32>,
        %swap3A_219 = vector.shape_cast %swap3A_218 : vector<1x16xf32> to vector<16xf32>
        %swap3A_220 = vector.shape_cast %get3A_201 : vector<16xf32> to vector<1x16xf32>
        tpu.vector_store %arg6[%swap3A_216, %swap3A_217], %swap3A_220 {strides = array<i32>} : memref<64x1024xf32, #tpu.memory_space<vmem>>, vector<1x16xf32>,
        %swap3A_221 = arith.index_cast %scan3A_187 : i32 to index
        %swap3A_222 = arith.constant 64 : index
        %swap3A_223 = tpu.vector_load %arg6[%swap3A_221, %swap3A_222] {strides = array<i32>} : memref<64x1024xf32, #tpu.memory_space<vmem>>, vector<1x16xf32>,
        %swap3A_224 = vector.shape_cast %swap3A_223 : vector<1x16xf32> to vector<16xf32>
        %swap3A_225 = vector.shape_cast %get3A_194 : vector<16xf32> to vector<1x16xf32>
        tpu.vector_store %arg6[%swap3A_221, %swap3A_222], %swap3A_225 {strides = array<i32>} : memref<64x1024xf32, #tpu.memory_space<vmem>>, vector<1x16xf32>,
        %swap3A_226 = arith.index_cast %scan3A_187 : i32 to index
        %swap3A_227 = arith.constant 80 : index
        %swap3A_228 = tpu.vector_load %arg6[%swap3A_226, %swap3A_227] {strides = array<i32>} : memref<64x1024xf32, #tpu.memory_space<vmem>>, vector<1x16xf32>,
        %swap3A_229 = vector.shape_cast %swap3A_228 : vector<1x16xf32> to vector<16xf32>
        %swap3A_230 = vector.shape_cast %get3A_201 : vector<16xf32> to vector<1x16xf32>
        tpu.vector_store %arg6[%swap3A_226, %swap3A_227], %swap3A_230 {strides = array<i32>} : memref<64x1024xf32, #tpu.memory_space<vmem>>, vector<1x16xf32>,
        %swap3A_231 = arith.index_cast %scan3A_187 : i32 to index
        %swap3A_232 = arith.constant 96 : index
        %swap3A_233 = tpu.vector_load %arg6[%swap3A_231, %swap3A_232] {strides = array<i32>} : memref<64x1024xf32, #tpu.memory_space<vmem>>, vector<1x16xf32>,
        %swap3A_234 = vector.shape_cast %swap3A_233 : vector<1x16xf32> to vector<16xf32>
        %swap3A_235 = vector.shape_cast %get3A_194 : vector<16xf32> to vector<1x16xf32>
        tpu.vector_store %arg6[%swap3A_231, %swap3A_232], %swap3A_235 {strides = array<i32>} : memref<64x1024xf32, #tpu.memory_space<vmem>>, vector<1x16xf32>,
        %swap3A_236 = arith.index_cast %scan3A_187 : i32 to index
        %swap3A_237 = arith.constant 112 : index
        %swap3A_238 = tpu.vector_load %arg6[%swap3A_236, %swap3A_237] {strides = array<i32>} : memref<64x1024xf32, #tpu.memory_space<vmem>>, vector<1x16xf32>,
        %swap3A_239 = vector.shape_cast %swap3A_238 : vector<1x16xf32> to vector<16xf32>
        %swap3A_240 = vector.shape_cast %get3A_201 : vector<16xf32> to vector<1x16xf32>
        tpu.vector_store %arg6[%swap3A_236, %swap3A_237], %swap3A_240 {strides = array<i32>} : memref<64x1024xf32, #tpu.memory_space<vmem>>, vector<1x16xf32>,
        %swap3A_241 = arith.index_cast %scan3A_187 : i32 to index
        %swap3A_242 = arith.constant 128 : index
        %swap3A_243 = tpu.vector_load %arg6[%swap3A_241, %swap3A_242] {strides = array<i32>} : memref<64x1024xf32, #tpu.memory_space<vmem>>, vector<1x16xf32>,
        %swap3A_244 = vector.shape_cast %swap3A_243 : vector<1x16xf32> to vector<16xf32>
        %swap3A_245 = vector.shape_cast %get3A_194 : vector<16xf32> to vector<1x16xf32>
        tpu.vector_store %arg6[%swap3A_241, %swap3A_242], %swap3A_245 {strides = array<i32>} : memref<64x1024xf32, #tpu.memory_space<vmem>>, vector<1x16xf32>,
        %swap3A_246 = arith.index_cast %scan3A_187 : i32 to index
        %swap3A_247 = arith.constant 144 : index
        %swap3A_248 = tpu.vector_load %arg6[%swap3A_246, %swap3A_247] {strides = array<i32>} : memref<64x1024xf32, #tpu.memory_space<vmem>>, vector<1x16xf32>,
        %swap3A_249 = vector.shape_cast %swap3A_248 : vector<1x16xf32> to vector<16xf32>
        %swap3A_250 = vector.shape_cast %get3A_201 : vector<16xf32> to vector<1x16xf32>
        tpu.vector_store %arg6[%swap3A_246, %swap3A_247], %swap3A_250 {strides = array<i32>} : memref<64x1024xf32, #tpu.memory_space<vmem>>, vector<1x16xf32>,
        %swap3A_251 = arith.index_cast %scan3A_187 : i32 to index
        %swap3A_252 = arith.constant 160 : index
        %swap3A_253 = tpu.vector_load %arg6[%swap3A_251, %swap3A_252] {strides = array<i32>} : memref<64x1024xf32, #tpu.memory_space<vmem>>, vector<1x16xf32>,
        %swap3A_254 = vector.shape_cast %swap3A_253 : vector<1x16xf32> to vector<16xf32>
        %swap3A_255 = vector.shape_cast %get3A_194 : vector<16xf32> to vector<1x16xf32>
        tpu.vector_store %arg6[%swap3A_251, %swap3A_252], %swap3A_255 {strides = array<i32>} : memref<64x1024xf32, #tpu.memory_space<vmem>>, vector<1x16xf32>,
        %swap3A_256 = arith.index_cast %scan3A_187 : i32 to index
        %swap3A_257 = arith.constant 176 : index
        %swap3A_258 = tpu.vector_load %arg6[%swap3A_256, %swap3A_257] {strides = array<i32>} : memref<64x1024xf32, #tpu.memory_space<vmem>>, vector<1x16xf32>,
        %swap3A_259 = vector.shape_cast %swap3A_258 : vector<1x16xf32> to vector<16xf32>
        %swap3A_260 = vector.shape_cast %get3A_201 : vector<16xf32> to vector<1x16xf32>
        tpu.vector_store %arg6[%swap3A_256, %swap3A_257], %swap3A_260 {strides = array<i32>} : memref<64x1024xf32, #tpu.memory_space<vmem>>, vector<1x16xf32>,
        %swap3A_261 = arith.index_cast %scan3A_187 : i32 to index
        %swap3A_262 = arith.constant 192 : index
        %swap3A_263 = tpu.vector_load %arg6[%swap3A_261, %swap3A_262] {strides = array<i32>} : memref<64x1024xf32, #tpu.memory_space<vmem>>, vector<1x16xf32>,
        %swap3A_264 = vector.shape_cast %swap3A_263 : vector<1x16xf32> to vector<16xf32>
        %swap3A_265 = vector.shape_cast %get3A_194 : vector<16xf32> to vector<1x16xf32>
        tpu.vector_store %arg6[%swap3A_261, %swap3A_262], %swap3A_265 {strides = array<i32>} : memref<64x1024xf32, #tpu.memory_space<vmem>>, vector<1x16xf32>,
        %swap3A_266 = arith.index_cast %scan3A_187 : i32 to index
        %swap3A_267 = arith.constant 208 : index
        %swap3A_268 = tpu.vector_load %arg6[%swap3A_266, %swap3A_267] {strides = array<i32>} : memref<64x1024xf32, #tpu.memory_space<vmem>>, vector<1x16xf32>,
        %swap3A_269 = vector.shape_cast %swap3A_268 : vector<1x16xf32> to vector<16xf32>
        %swap3A_270 = vector.shape_cast %get3A_201 : vector<16xf32> to vector<1x16xf32>
        tpu.vector_store %arg6[%swap3A_266, %swap3A_267], %swap3A_270 {strides = array<i32>} : memref<64x1024xf32, #tpu.memory_space<vmem>>, vector<1x16xf32>,
        %swap3A_271 = arith.index_cast %scan3A_187 : i32 to index
        %swap3A_272 = arith.constant 224 : index
        %swap3A_273 = tpu.vector_load %arg6[%swap3A_271, %swap3A_272] {strides = array<i32>} : memref<64x1024xf32, #tpu.memory_space<vmem>>, vector<1x16xf32>,
        %swap3A_274 = vector.shape_cast %swap3A_273 : vector<1x16xf32> to vector<16xf32>
        %swap3A_275 = vector.shape_cast %get3A_194 : vector<16xf32> to vector<1x16xf32>
        tpu.vector_store %arg6[%swap3A_271, %swap3A_272], %swap3A_275 {strides = array<i32>} : memref<64x1024xf32, #tpu.memory_space<vmem>>, vector<1x16xf32>,
        %swap3A_276 = arith.index_cast %scan3A_187 : i32 to index
        %swap3A_277 = arith.constant 240 : index
        %swap3A_278 = tpu.vector_load %arg6[%swap3A_276, %swap3A_277] {strides = array<i32>} : memref<64x1024xf32, #tpu.memory_space<vmem>>, vector<1x16xf32>,
        %swap3A_279 = vector.shape_cast %swap3A_278 : vector<1x16xf32> to vector<16xf32>
        %swap3A_280 = vector.shape_cast %get3A_201 : vector<16xf32> to vector<1x16xf32>
        tpu.vector_store %arg6[%swap3A_276, %swap3A_277], %swap3A_280 {strides = array<i32>} : memref<64x1024xf32, #tpu.memory_space<vmem>>, vector<1x16xf32>,
        %swap3A_281 = arith.index_cast %scan3A_187 : i32 to index
        %swap3A_282 = arith.constant 256 : index
        %swap3A_283 = tpu.vector_load %arg6[%swap3A_281, %swap3A_282] {strides = array<i32>} : memref<64x1024xf32, #tpu.memory_space<vmem>>, vector<1x16xf32>,
        %swap3A_284 = vector.shape_cast %swap3A_283 : vector<1x16xf32> to vector<16xf32>
        %swap3A_285 = vector.shape_cast %get3A_194 : vector<16xf32> to vector<1x16xf32>
        tpu.vector_store %arg6[%swap3A_281, %swap3A_282], %swap3A_285 {strides = array<i32>} : memref<64x1024xf32, #tpu.memory_space<vmem>>, vector<1x16xf32>,
        %swap3A_286 = arith.index_cast %scan3A_187 : i32 to index
        %swap3A_287 = arith.constant 272 : index
        %swap3A_288 = tpu.vector_load %arg6[%swap3A_286, %swap3A_287] {strides = array<i32>} : memref<64x1024xf32, #tpu.memory_space<vmem>>, vector<1x16xf32>,
        %swap3A_289 = vector.shape_cast %swap3A_288 : vector<1x16xf32> to vector<16xf32>
        %swap3A_290 = vector.shape_cast %get3A_201 : vector<16xf32> to vector<1x16xf32>
        tpu.vector_store %arg6[%swap3A_286, %swap3A_287], %swap3A_290 {strides = array<i32>} : memref<64x1024xf32, #tpu.memory_space<vmem>>, vector<1x16xf32>,
        %swap3A_291 = arith.index_cast %scan3A_187 : i32 to index
        %swap3A_292 = arith.constant 288 : index
        %swap3A_293 = tpu.vector_load %arg6[%swap3A_291, %swap3A_292] {strides = array<i32>} : memref<64x1024xf32, #tpu.memory_space<vmem>>, vector<1x16xf32>,
        %swap3A_294 = vector.shape_cast %swap3A_293 : vector<1x16xf32> to vector<16xf32>
        %swap3A_295 = vector.shape_cast %get3A_194 : vector<16xf32> to vector<1x16xf32>
        tpu.vector_store %arg6[%swap3A_291, %swap3A_292], %swap3A_295 {strides = array<i32>} : memref<64x1024xf32, #tpu.memory_space<vmem>>, vector<1x16xf32>,
        %swap3A_296 = arith.index_cast %scan3A_187 : i32 to index
        %swap3A_297 = arith.constant 304 : index
        %swap3A_298 = tpu.vector_load %arg6[%swap3A_296, %swap3A_297] {strides = array<i32>} : memref<64x1024xf32, #tpu.memory_space<vmem>>, vector<1x16xf32>,
        %swap3A_299 = vector.shape_cast %swap3A_298 : vector<1x16xf32> to vector<16xf32>
        %swap3A_300 = vector.shape_cast %get3A_201 : vector<16xf32> to vector<1x16xf32>
        tpu.vector_store %arg6[%swap3A_296, %swap3A_297], %swap3A_300 {strides = array<i32>} : memref<64x1024xf32, #tpu.memory_space<vmem>>, vector<1x16xf32>,
        %swap3A_301 = arith.index_cast %scan3A_187 : i32 to index
        %swap3A_302 = arith.constant 320 : index
        %swap3A_303 = tpu.vector_load %arg6[%swap3A_301, %swap3A_302] {strides = array<i32>} : memref<64x1024xf32, #tpu.memory_space<vmem>>, vector<1x16xf32>,
        %swap3A_304 = vector.shape_cast %swap3A_303 : vector<1x16xf32> to vector<16xf32>
        %swap3A_305 = vector.shape_cast %get3A_194 : vector<16xf32> to vector<1x16xf32>
        tpu.vector_store %arg6[%swap3A_301, %swap3A_302], %swap3A_305 {strides = array<i32>} : memref<64x1024xf32, #tpu.memory_space<vmem>>, vector<1x16xf32>,
        %swap3A_306 = arith.index_cast %scan3A_187 : i32 to index
        %swap3A_307 = arith.constant 336 : index
        %swap3A_308 = tpu.vector_load %arg6[%swap3A_306, %swap3A_307] {strides = array<i32>} : memref<64x1024xf32, #tpu.memory_space<vmem>>, vector<1x16xf32>,
        %swap3A_309 = vector.shape_cast %swap3A_308 : vector<1x16xf32> to vector<16xf32>
        %swap3A_310 = vector.shape_cast %get3A_201 : vector<16xf32> to vector<1x16xf32>
        tpu.vector_store %arg6[%swap3A_306, %swap3A_307], %swap3A_310 {strides = array<i32>} : memref<64x1024xf32, #tpu.memory_space<vmem>>, vector<1x16xf32>,
        %swap3A_311 = arith.index_cast %scan3A_187 : i32 to index
        %swap3A_312 = arith.constant 352 : index
        %swap3A_313 = tpu.vector_load %arg6[%swap3A_311, %swap3A_312] {strides = array<i32>} : memref<64x1024xf32, #tpu.memory_space<vmem>>, vector<1x16xf32>,
        %swap3A_314 = vector.shape_cast %swap3A_313 : vector<1x16xf32> to vector<16xf32>
        %swap3A_315 = vector.shape_cast %get3A_194 : vector<16xf32> to vector<1x16xf32>
        tpu.vector_store %arg6[%swap3A_311, %swap3A_312], %swap3A_315 {strides = array<i32>} : memref<64x1024xf32, #tpu.memory_space<vmem>>, vector<1x16xf32>,
        %swap3A_316 = arith.index_cast %scan3A_187 : i32 to index
        %swap3A_317 = arith.constant 368 : index
        %swap3A_318 = tpu.vector_load %arg6[%swap3A_316, %swap3A_317] {strides = array<i32>} : memref<64x1024xf32, #tpu.memory_space<vmem>>, vector<1x16xf32>,
        %swap3A_319 = vector.shape_cast %swap3A_318 : vector<1x16xf32> to vector<16xf32>
        %swap3A_320 = vector.shape_cast %get3A_201 : vector<16xf32> to vector<1x16xf32>
        tpu.vector_store %arg6[%swap3A_316, %swap3A_317], %swap3A_320 {strides = array<i32>} : memref<64x1024xf32, #tpu.memory_space<vmem>>, vector<1x16xf32>,
        %swap3A_321 = arith.index_cast %scan3A_187 : i32 to index
        %swap3A_322 = arith.constant 384 : index
        %swap3A_323 = tpu.vector_load %arg6[%swap3A_321, %swap3A_322] {strides = array<i32>} : memref<64x1024xf32, #tpu.memory_space<vmem>>, vector<1x16xf32>,
        %swap3A_324 = vector.shape_cast %swap3A_323 : vector<1x16xf32> to vector<16xf32>
        %swap3A_325 = vector.shape_cast %get3A_194 : vector<16xf32> to vector<1x16xf32>
        tpu.vector_store %arg6[%swap3A_321, %swap3A_322], %swap3A_325 {strides = array<i32>} : memref<64x1024xf32, #tpu.memory_space<vmem>>, vector<1x16xf32>,
        %swap3A_326 = arith.index_cast %scan3A_187 : i32 to index
        %swap3A_327 = arith.constant 400 : index
        %swap3A_328 = tpu.vector_load %arg6[%swap3A_326, %swap3A_327] {strides = array<i32>} : memref<64x1024xf32, #tpu.memory_space<vmem>>, vector<1x16xf32>,
        %swap3A_329 = vector.shape_cast %swap3A_328 : vector<1x16xf32> to vector<16xf32>
        %swap3A_330 = vector.shape_cast %get3A_201 : vector<16xf32> to vector<1x16xf32>
        tpu.vector_store %arg6[%swap3A_326, %swap3A_327], %swap3A_330 {strides = array<i32>} : memref<64x1024xf32, #tpu.memory_space<vmem>>, vector<1x16xf32>,
        %swap3A_331 = arith.index_cast %scan3A_187 : i32 to index
        %swap3A_332 = arith.constant 416 : index
        %swap3A_333 = tpu.vector_load %arg6[%swap3A_331, %swap3A_332] {strides = array<i32>} : memref<64x1024xf32, #tpu.memory_space<vmem>>, vector<1x16xf32>,
        %swap3A_334 = vector.shape_cast %swap3A_333 : vector<1x16xf32> to vector<16xf32>
        %swap3A_335 = vector.shape_cast %get3A_194 : vector<16xf32> to vector<1x16xf32>
        tpu.vector_store %arg6[%swap3A_331, %swap3A_332], %swap3A_335 {strides = array<i32>} : memref<64x1024xf32, #tpu.memory_space<vmem>>, vector<1x16xf32>,
        %swap3A_336 = arith.index_cast %scan3A_187 : i32 to index
        %swap3A_337 = arith.constant 432 : index
        %swap3A_338 = tpu.vector_load %arg6[%swap3A_336, %swap3A_337] {strides = array<i32>} : memref<64x1024xf32, #tpu.memory_space<vmem>>, vector<1x16xf32>,
        %swap3A_339 = vector.shape_cast %swap3A_338 : vector<1x16xf32> to vector<16xf32>
        %swap3A_340 = vector.shape_cast %get3A_201 : vector<16xf32> to vector<1x16xf32>
        tpu.vector_store %arg6[%swap3A_336, %swap3A_337], %swap3A_340 {strides = array<i32>} : memref<64x1024xf32, #tpu.memory_space<vmem>>, vector<1x16xf32>,
        %swap3A_341 = arith.index_cast %scan3A_187 : i32 to index
        %swap3A_342 = arith.constant 448 : index
        %swap3A_343 = tpu.vector_load %arg6[%swap3A_341, %swap3A_342] {strides = array<i32>} : memref<64x1024xf32, #tpu.memory_space<vmem>>, vector<1x16xf32>,
        %swap3A_344 = vector.shape_cast %swap3A_343 : vector<1x16xf32> to vector<16xf32>
        %swap3A_345 = vector.shape_cast %get3A_194 : vector<16xf32> to vector<1x16xf32>
        tpu.vector_store %arg6[%swap3A_341, %swap3A_342], %swap3A_345 {strides = array<i32>} : memref<64x1024xf32, #tpu.memory_space<vmem>>, vector<1x16xf32>,
        %swap3A_346 = arith.index_cast %scan3A_187 : i32 to index
        %swap3A_347 = arith.constant 464 : index
        %swap3A_348 = tpu.vector_load %arg6[%swap3A_346, %swap3A_347] {strides = array<i32>} : memref<64x1024xf32, #tpu.memory_space<vmem>>, vector<1x16xf32>,
        %swap3A_349 = vector.shape_cast %swap3A_348 : vector<1x16xf32> to vector<16xf32>
        %swap3A_350 = vector.shape_cast %get3A_201 : vector<16xf32> to vector<1x16xf32>
        tpu.vector_store %arg6[%swap3A_346, %swap3A_347], %swap3A_350 {strides = array<i32>} : memref<64x1024xf32, #tpu.memory_space<vmem>>, vector<1x16xf32>,
        %swap3A_351 = arith.index_cast %scan3A_187 : i32 to index
        %swap3A_352 = arith.constant 480 : index
        %swap3A_353 = tpu.vector_load %arg6[%swap3A_351, %swap3A_352] {strides = array<i32>} : memref<64x1024xf32, #tpu.memory_space<vmem>>, vector<1x16xf32>,
        %swap3A_354 = vector.shape_cast %swap3A_353 : vector<1x16xf32> to vector<16xf32>
        %swap3A_355 = vector.shape_cast %get3A_194 : vector<16xf32> to vector<1x16xf32>
        tpu.vector_store %arg6[%swap3A_351, %swap3A_352], %swap3A_355 {strides = array<i32>} : memref<64x1024xf32, #tpu.memory_space<vmem>>, vector<1x16xf32>,
        %swap3A_356 = arith.index_cast %scan3A_187 : i32 to index
        %swap3A_357 = arith.constant 496 : index
        %swap3A_358 = tpu.vector_load %arg6[%swap3A_356, %swap3A_357] {strides = array<i32>} : memref<64x1024xf32, #tpu.memory_space<vmem>>, vector<1x16xf32>,
        %swap3A_359 = vector.shape_cast %swap3A_358 : vector<1x16xf32> to vector<16xf32>
        %swap3A_360 = vector.shape_cast %get3A_201 : vector<16xf32> to vector<1x16xf32>
        tpu.vector_store %arg6[%swap3A_356, %swap3A_357], %swap3A_360 {strides = array<i32>} : memref<64x1024xf32, #tpu.memory_space<vmem>>, vector<1x16xf32>,
        %swap3A_361 = arith.index_cast %scan3A_187 : i32 to index
        %swap3A_362 = arith.constant 512 : index
        %swap3A_363 = tpu.vector_load %arg6[%swap3A_361, %swap3A_362] {strides = array<i32>} : memref<64x1024xf32, #tpu.memory_space<vmem>>, vector<1x16xf32>,
        %swap3A_364 = vector.shape_cast %swap3A_363 : vector<1x16xf32> to vector<16xf32>
        %swap3A_365 = vector.shape_cast %get3A_194 : vector<16xf32> to vector<1x16xf32>
        tpu.vector_store %arg6[%swap3A_361, %swap3A_362], %swap3A_365 {strides = array<i32>} : memref<64x1024xf32, #tpu.memory_space<vmem>>, vector<1x16xf32>,
        %swap3A_366 = arith.index_cast %scan3A_187 : i32 to index
        %swap3A_367 = arith.constant 528 : index
        %swap3A_368 = tpu.vector_load %arg6[%swap3A_366, %swap3A_367] {strides = array<i32>} : memref<64x1024xf32, #tpu.memory_space<vmem>>, vector<1x16xf32>,
        %swap3A_369 = vector.shape_cast %swap3A_368 : vector<1x16xf32> to vector<16xf32>
        %swap3A_370 = vector.shape_cast %get3A_201 : vector<16xf32> to vector<1x16xf32>
        tpu.vector_store %arg6[%swap3A_366, %swap3A_367], %swap3A_370 {strides = array<i32>} : memref<64x1024xf32, #tpu.memory_space<vmem>>, vector<1x16xf32>,
        %swap3A_371 = arith.index_cast %scan3A_187 : i32 to index
        %swap3A_372 = arith.constant 544 : index
        %swap3A_373 = tpu.vector_load %arg6[%swap3A_371, %swap3A_372] {strides = array<i32>} : memref<64x1024xf32, #tpu.memory_space<vmem>>, vector<1x16xf32>,
        %swap3A_374 = vector.shape_cast %swap3A_373 : vector<1x16xf32> to vector<16xf32>
        %swap3A_375 = vector.shape_cast %get3A_194 : vector<16xf32> to vector<1x16xf32>
        tpu.vector_store %arg6[%swap3A_371, %swap3A_372], %swap3A_375 {strides = array<i32>} : memref<64x1024xf32, #tpu.memory_space<vmem>>, vector<1x16xf32>,
        %swap3A_376 = arith.index_cast %scan3A_187 : i32 to index
        %swap3A_377 = arith.constant 560 : index
        %swap3A_378 = tpu.vector_load %arg6[%swap3A_376, %swap3A_377] {strides = array<i32>} : memref<64x1024xf32, #tpu.memory_space<vmem>>, vector<1x16xf32>,
        %swap3A_379 = vector.shape_cast %swap3A_378 : vector<1x16xf32> to vector<16xf32>
        %swap3A_380 = vector.shape_cast %get3A_201 : vector<16xf32> to vector<1x16xf32>
        tpu.vector_store %arg6[%swap3A_376, %swap3A_377], %swap3A_380 {strides = array<i32>} : memref<64x1024xf32, #tpu.memory_space<vmem>>, vector<1x16xf32>,
        %swap3A_381 = arith.index_cast %scan3A_187 : i32 to index
        %swap3A_382 = arith.constant 576 : index
        %swap3A_383 = tpu.vector_load %arg6[%swap3A_381, %swap3A_382] {strides = array<i32>} : memref<64x1024xf32, #tpu.memory_space<vmem>>, vector<1x16xf32>,
        %swap3A_384 = vector.shape_cast %swap3A_383 : vector<1x16xf32> to vector<16xf32>
        %swap3A_385 = vector.shape_cast %get3A_194 : vector<16xf32> to vector<1x16xf32>
        tpu.vector_store %arg6[%swap3A_381, %swap3A_382], %swap3A_385 {strides = array<i32>} : memref<64x1024xf32, #tpu.memory_space<vmem>>, vector<1x16xf32>,
        %swap3A_386 = arith.index_cast %scan3A_187 : i32 to index
        %swap3A_387 = arith.constant 592 : index
        %swap3A_388 = tpu.vector_load %arg6[%swap3A_386, %swap3A_387] {strides = array<i32>} : memref<64x1024xf32, #tpu.memory_space<vmem>>, vector<1x16xf32>,
        %swap3A_389 = vector.shape_cast %swap3A_388 : vector<1x16xf32> to vector<16xf32>
        %swap3A_390 = vector.shape_cast %get3A_201 : vector<16xf32> to vector<1x16xf32>
        tpu.vector_store %arg6[%swap3A_386, %swap3A_387], %swap3A_390 {strides = array<i32>} : memref<64x1024xf32, #tpu.memory_space<vmem>>, vector<1x16xf32>,
        %swap3A_391 = arith.index_cast %scan3A_187 : i32 to index
        %swap3A_392 = arith.constant 608 : index
        %swap3A_393 = tpu.vector_load %arg6[%swap3A_391, %swap3A_392] {strides = array<i32>} : memref<64x1024xf32, #tpu.memory_space<vmem>>, vector<1x16xf32>,
        %swap3A_394 = vector.shape_cast %swap3A_393 : vector<1x16xf32> to vector<16xf32>
        %swap3A_395 = vector.shape_cast %get3A_194 : vector<16xf32> to vector<1x16xf32>
        tpu.vector_store %arg6[%swap3A_391, %swap3A_392], %swap3A_395 {strides = array<i32>} : memref<64x1024xf32, #tpu.memory_space<vmem>>, vector<1x16xf32>,
        %swap3A_396 = arith.index_cast %scan3A_187 : i32 to index
        %swap3A_397 = arith.constant 624 : index
        %swap3A_398 = tpu.vector_load %arg6[%swap3A_396, %swap3A_397] {strides = array<i32>} : memref<64x1024xf32, #tpu.memory_space<vmem>>, vector<1x16xf32>,
        %swap3A_399 = vector.shape_cast %swap3A_398 : vector<1x16xf32> to vector<16xf32>
        %swap3A_400 = vector.shape_cast %get3A_201 : vector<16xf32> to vector<1x16xf32>
        tpu.vector_store %arg6[%swap3A_396, %swap3A_397], %swap3A_400 {strides = array<i32>} : memref<64x1024xf32, #tpu.memory_space<vmem>>, vector<1x16xf32>,
        %swap3A_401 = arith.index_cast %scan3A_187 : i32 to index
        %swap3A_402 = arith.constant 640 : index
        %swap3A_403 = tpu.vector_load %arg6[%swap3A_401, %swap3A_402] {strides = array<i32>} : memref<64x1024xf32, #tpu.memory_space<vmem>>, vector<1x16xf32>,
        %swap3A_404 = vector.shape_cast %swap3A_403 : vector<1x16xf32> to vector<16xf32>
        %swap3A_405 = vector.shape_cast %get3A_194 : vector<16xf32> to vector<1x16xf32>
        tpu.vector_store %arg6[%swap3A_401, %swap3A_402], %swap3A_405 {strides = array<i32>} : memref<64x1024xf32, #tpu.memory_space<vmem>>, vector<1x16xf32>,
        %swap3A_406 = arith.index_cast %scan3A_187 : i32 to index
        %swap3A_407 = arith.constant 656 : index
        %swap3A_408 = tpu.vector_load %arg6[%swap3A_406, %swap3A_407] {strides = array<i32>} : memref<64x1024xf32, #tpu.memory_space<vmem>>, vector<1x16xf32>,
        %swap3A_409 = vector.shape_cast %swap3A_408 : vector<1x16xf32> to vector<16xf32>
        %swap3A_410 = vector.shape_cast %get3A_201 : vector<16xf32> to vector<1x16xf32>
        tpu.vector_store %arg6[%swap3A_406, %swap3A_407], %swap3A_410 {strides = array<i32>} : memref<64x1024xf32, #tpu.memory_space<vmem>>, vector<1x16xf32>,
        %swap3A_411 = arith.index_cast %scan3A_187 : i32 to index
        %swap3A_412 = arith.constant 672 : index
        %swap3A_413 = tpu.vector_load %arg6[%swap3A_411, %swap3A_412] {strides = array<i32>} : memref<64x1024xf32, #tpu.memory_space<vmem>>, vector<1x16xf32>,
        %swap3A_414 = vector.shape_cast %swap3A_413 : vector<1x16xf32> to vector<16xf32>
        %swap3A_415 = vector.shape_cast %get3A_194 : vector<16xf32> to vector<1x16xf32>
        tpu.vector_store %arg6[%swap3A_411, %swap3A_412], %swap3A_415 {strides = array<i32>} : memref<64x1024xf32, #tpu.memory_space<vmem>>, vector<1x16xf32>,
        %swap3A_416 = arith.index_cast %scan3A_187 : i32 to index
        %swap3A_417 = arith.constant 688 : index
        %swap3A_418 = tpu.vector_load %arg6[%swap3A_416, %swap3A_417] {strides = array<i32>} : memref<64x1024xf32, #tpu.memory_space<vmem>>, vector<1x16xf32>,
        %swap3A_419 = vector.shape_cast %swap3A_418 : vector<1x16xf32> to vector<16xf32>
        %swap3A_420 = vector.shape_cast %get3A_201 : vector<16xf32> to vector<1x16xf32>
        tpu.vector_store %arg6[%swap3A_416, %swap3A_417], %swap3A_420 {strides = array<i32>} : memref<64x1024xf32, #tpu.memory_space<vmem>>, vector<1x16xf32>,
        %swap3A_421 = arith.index_cast %scan3A_187 : i32 to index
        %swap3A_422 = arith.constant 704 : index
        %swap3A_423 = tpu.vector_load %arg6[%swap3A_421, %swap3A_422] {strides = array<i32>} : memref<64x1024xf32, #tpu.memory_space<vmem>>, vector<1x16xf32>,
        %swap3A_424 = vector.shape_cast %swap3A_423 : vector<1x16xf32> to vector<16xf32>
        %swap3A_425 = vector.shape_cast %get3A_194 : vector<16xf32> to vector<1x16xf32>
        tpu.vector_store %arg6[%swap3A_421, %swap3A_422], %swap3A_425 {strides = array<i32>} : memref<64x1024xf32, #tpu.memory_space<vmem>>, vector<1x16xf32>,
        %swap3A_426 = arith.index_cast %scan3A_187 : i32 to index
        %swap3A_427 = arith.constant 720 : index
        %swap3A_428 = tpu.vector_load %arg6[%swap3A_426, %swap3A_427] {strides = array<i32>} : memref<64x1024xf32, #tpu.memory_space<vmem>>, vector<1x16xf32>,
        %swap3A_429 = vector.shape_cast %swap3A_428 : vector<1x16xf32> to vector<16xf32>
        %swap3A_430 = vector.shape_cast %get3A_201 : vector<16xf32> to vector<1x16xf32>
        tpu.vector_store %arg6[%swap3A_426, %swap3A_427], %swap3A_430 {strides = array<i32>} : memref<64x1024xf32, #tpu.memory_space<vmem>>, vector<1x16xf32>,
        %swap3A_431 = arith.index_cast %scan3A_187 : i32 to index
        %swap3A_432 = arith.constant 736 : index
        %swap3A_433 = tpu.vector_load %arg6[%swap3A_431, %swap3A_432] {strides = array<i32>} : memref<64x1024xf32, #tpu.memory_space<vmem>>, vector<1x16xf32>,
        %swap3A_434 = vector.shape_cast %swap3A_433 : vector<1x16xf32> to vector<16xf32>
        %swap3A_435 = vector.shape_cast %get3A_194 : vector<16xf32> to vector<1x16xf32>
        tpu.vector_store %arg6[%swap3A_431, %swap3A_432], %swap3A_435 {strides = array<i32>} : memref<64x1024xf32, #tpu.memory_space<vmem>>, vector<1x16xf32>,
        %swap3A_436 = arith.index_cast %scan3A_187 : i32 to index
        %swap3A_437 = arith.constant 752 : index
        %swap3A_438 = tpu.vector_load %arg6[%swap3A_436, %swap3A_437] {strides = array<i32>} : memref<64x1024xf32, #tpu.memory_space<vmem>>, vector<1x16xf32>,
        %swap3A_439 = vector.shape_cast %swap3A_438 : vector<1x16xf32> to vector<16xf32>
        %swap3A_440 = vector.shape_cast %get3A_201 : vector<16xf32> to vector<1x16xf32>
        tpu.vector_store %arg6[%swap3A_436, %swap3A_437], %swap3A_440 {strides = array<i32>} : memref<64x1024xf32, #tpu.memory_space<vmem>>, vector<1x16xf32>,
        %swap3A_441 = arith.index_cast %scan3A_187 : i32 to index
        %swap3A_442 = arith.constant 768 : index
        %swap3A_443 = tpu.vector_load %arg6[%swap3A_441, %swap3A_442] {strides = array<i32>} : memref<64x1024xf32, #tpu.memory_space<vmem>>, vector<1x16xf32>,
        %swap3A_444 = vector.shape_cast %swap3A_443 : vector<1x16xf32> to vector<16xf32>
        %swap3A_445 = vector.shape_cast %get3A_194 : vector<16xf32> to vector<1x16xf32>
        tpu.vector_store %arg6[%swap3A_441, %swap3A_442], %swap3A_445 {strides = array<i32>} : memref<64x1024xf32, #tpu.memory_space<vmem>>, vector<1x16xf32>,
        %swap3A_446 = arith.index_cast %scan3A_187 : i32 to index
        %swap3A_447 = arith.constant 784 : index
        %swap3A_448 = tpu.vector_load %arg6[%swap3A_446, %swap3A_447] {strides = array<i32>} : memref<64x1024xf32, #tpu.memory_space<vmem>>, vector<1x16xf32>,
        %swap3A_449 = vector.shape_cast %swap3A_448 : vector<1x16xf32> to vector<16xf32>
        %swap3A_450 = vector.shape_cast %get3A_201 : vector<16xf32> to vector<1x16xf32>
        tpu.vector_store %arg6[%swap3A_446, %swap3A_447], %swap3A_450 {strides = array<i32>} : memref<64x1024xf32, #tpu.memory_space<vmem>>, vector<1x16xf32>,
        %swap3A_451 = arith.index_cast %scan3A_187 : i32 to index
        %swap3A_452 = arith.constant 800 : index
        %swap3A_453 = tpu.vector_load %arg6[%swap3A_451, %swap3A_452] {strides = array<i32>} : memref<64x1024xf32, #tpu.memory_space<vmem>>, vector<1x16xf32>,
        %swap3A_454 = vector.shape_cast %swap3A_453 : vector<1x16xf32> to vector<16xf32>
        %swap3A_455 = vector.shape_cast %get3A_194 : vector<16xf32> to vector<1x16xf32>
        tpu.vector_store %arg6[%swap3A_451, %swap3A_452], %swap3A_455 {strides = array<i32>} : memref<64x1024xf32, #tpu.memory_space<vmem>>, vector<1x16xf32>,
        %swap3A_456 = arith.index_cast %scan3A_187 : i32 to index
        %swap3A_457 = arith.constant 816 : index
        %swap3A_458 = tpu.vector_load %arg6[%swap3A_456, %swap3A_457] {strides = array<i32>} : memref<64x1024xf32, #tpu.memory_space<vmem>>, vector<1x16xf32>,
        %swap3A_459 = vector.shape_cast %swap3A_458 : vector<1x16xf32> to vector<16xf32>
        %swap3A_460 = vector.shape_cast %get3A_201 : vector<16xf32> to vector<1x16xf32>
        tpu.vector_store %arg6[%swap3A_456, %swap3A_457], %swap3A_460 {strides = array<i32>} : memref<64x1024xf32, #tpu.memory_space<vmem>>, vector<1x16xf32>,
        %swap3A_461 = arith.index_cast %scan3A_187 : i32 to index
        %swap3A_462 = arith.constant 832 : index
        %swap3A_463 = tpu.vector_load %arg6[%swap3A_461, %swap3A_462] {strides = array<i32>} : memref<64x1024xf32, #tpu.memory_space<vmem>>, vector<1x16xf32>,
        %swap3A_464 = vector.shape_cast %swap3A_463 : vector<1x16xf32> to vector<16xf32>
        %swap3A_465 = vector.shape_cast %get3A_194 : vector<16xf32> to vector<1x16xf32>
        tpu.vector_store %arg6[%swap3A_461, %swap3A_462], %swap3A_465 {strides = array<i32>} : memref<64x1024xf32, #tpu.memory_space<vmem>>, vector<1x16xf32>,
        %swap3A_466 = arith.index_cast %scan3A_187 : i32 to index
        %swap3A_467 = arith.constant 848 : index
        %swap3A_468 = tpu.vector_load %arg6[%swap3A_466, %swap3A_467] {strides = array<i32>} : memref<64x1024xf32, #tpu.memory_space<vmem>>, vector<1x16xf32>,
        %swap3A_469 = vector.shape_cast %swap3A_468 : vector<1x16xf32> to vector<16xf32>
        %swap3A_470 = vector.shape_cast %get3A_201 : vector<16xf32> to vector<1x16xf32>
        tpu.vector_store %arg6[%swap3A_466, %swap3A_467], %swap3A_470 {strides = array<i32>} : memref<64x1024xf32, #tpu.memory_space<vmem>>, vector<1x16xf32>,
        %swap3A_471 = arith.index_cast %scan3A_187 : i32 to index
        %swap3A_472 = arith.constant 864 : index
        %swap3A_473 = tpu.vector_load %arg6[%swap3A_471, %swap3A_472] {strides = array<i32>} : memref<64x1024xf32, #tpu.memory_space<vmem>>, vector<1x16xf32>,
        %swap3A_474 = vector.shape_cast %swap3A_473 : vector<1x16xf32> to vector<16xf32>
        %swap3A_475 = vector.shape_cast %get3A_194 : vector<16xf32> to vector<1x16xf32>
        tpu.vector_store %arg6[%swap3A_471, %swap3A_472], %swap3A_475 {strides = array<i32>} : memref<64x1024xf32, #tpu.memory_space<vmem>>, vector<1x16xf32>,
        %swap3A_476 = arith.index_cast %scan3A_187 : i32 to index
        %swap3A_477 = arith.constant 880 : index
        %swap3A_478 = tpu.vector_load %arg6[%swap3A_476, %swap3A_477] {strides = array<i32>} : memref<64x1024xf32, #tpu.memory_space<vmem>>, vector<1x16xf32>,
        %swap3A_479 = vector.shape_cast %swap3A_478 : vector<1x16xf32> to vector<16xf32>
        %swap3A_480 = vector.shape_cast %get3A_201 : vector<16xf32> to vector<1x16xf32>
        tpu.vector_store %arg6[%swap3A_476, %swap3A_477], %swap3A_480 {strides = array<i32>} : memref<64x1024xf32, #tpu.memory_space<vmem>>, vector<1x16xf32>,
        %swap3A_481 = arith.index_cast %scan3A_187 : i32 to index
        %swap3A_482 = arith.constant 896 : index
        %swap3A_483 = tpu.vector_load %arg6[%swap3A_481, %swap3A_482] {strides = array<i32>} : memref<64x1024xf32, #tpu.memory_space<vmem>>, vector<1x16xf32>,
        %swap3A_484 = vector.shape_cast %swap3A_483 : vector<1x16xf32> to vector<16xf32>
        %swap3A_485 = vector.shape_cast %get3A_194 : vector<16xf32> to vector<1x16xf32>
        tpu.vector_store %arg6[%swap3A_481, %swap3A_482], %swap3A_485 {strides = array<i32>} : memref<64x1024xf32, #tpu.memory_space<vmem>>, vector<1x16xf32>,
        %swap3A_486 = arith.index_cast %scan3A_187 : i32 to index
        %swap3A_487 = arith.constant 912 : index
        %swap3A_488 = tpu.vector_load %arg6[%swap3A_486, %swap3A_487] {strides = array<i32>} : memref<64x1024xf32, #tpu.memory_space<vmem>>, vector<1x16xf32>,
        %swap3A_489 = vector.shape_cast %swap3A_488 : vector<1x16xf32> to vector<16xf32>
        %swap3A_490 = vector.shape_cast %get3A_201 : vector<16xf32> to vector<1x16xf32>
        tpu.vector_store %arg6[%swap3A_486, %swap3A_487], %swap3A_490 {strides = array<i32>} : memref<64x1024xf32, #tpu.memory_space<vmem>>, vector<1x16xf32>,
        %swap3A_491 = arith.index_cast %scan3A_187 : i32 to index
        %swap3A_492 = arith.constant 928 : index
        %swap3A_493 = tpu.vector_load %arg6[%swap3A_491, %swap3A_492] {strides = array<i32>} : memref<64x1024xf32, #tpu.memory_space<vmem>>, vector<1x16xf32>,
        %swap3A_494 = vector.shape_cast %swap3A_493 : vector<1x16xf32> to vector<16xf32>
        %swap3A_495 = vector.shape_cast %get3A_194 : vector<16xf32> to vector<1x16xf32>
        tpu.vector_store %arg6[%swap3A_491, %swap3A_492], %swap3A_495 {strides = array<i32>} : memref<64x1024xf32, #tpu.memory_space<vmem>>, vector<1x16xf32>,
        %swap3A_496 = arith.index_cast %scan3A_187 : i32 to index
        %swap3A_497 = arith.constant 944 : index
        %swap3A_498 = tpu.vector_load %arg6[%swap3A_496, %swap3A_497] {strides = array<i32>} : memref<64x1024xf32, #tpu.memory_space<vmem>>, vector<1x16xf32>,
        %swap3A_499 = vector.shape_cast %swap3A_498 : vector<1x16xf32> to vector<16xf32>
        %swap3A_500 = vector.shape_cast %get3A_201 : vector<16xf32> to vector<1x16xf32>
        tpu.vector_store %arg6[%swap3A_496, %swap3A_497], %swap3A_500 {strides = array<i32>} : memref<64x1024xf32, #tpu.memory_space<vmem>>, vector<1x16xf32>,
        %swap3A_501 = arith.index_cast %scan3A_187 : i32 to index
        %swap3A_502 = arith.constant 960 : index
        %swap3A_503 = tpu.vector_load %arg6[%swap3A_501, %swap3A_502] {strides = array<i32>} : memref<64x1024xf32, #tpu.memory_space<vmem>>, vector<1x16xf32>,
        %swap3A_504 = vector.shape_cast %swap3A_503 : vector<1x16xf32> to vector<16xf32>
        %swap3A_505 = vector.shape_cast %get3A_194 : vector<16xf32> to vector<1x16xf32>
        tpu.vector_store %arg6[%swap3A_501, %swap3A_502], %swap3A_505 {strides = array<i32>} : memref<64x1024xf32, #tpu.memory_space<vmem>>, vector<1x16xf32>,
        %swap3A_506 = arith.index_cast %scan3A_187 : i32 to index
        %swap3A_507 = arith.constant 976 : index
        %swap3A_508 = tpu.vector_load %arg6[%swap3A_506, %swap3A_507] {strides = array<i32>} : memref<64x1024xf32, #tpu.memory_space<vmem>>, vector<1x16xf32>,
        %swap3A_509 = vector.shape_cast %swap3A_508 : vector<1x16xf32> to vector<16xf32>
        %swap3A_510 = vector.shape_cast %get3A_201 : vector<16xf32> to vector<1x16xf32>
        tpu.vector_store %arg6[%swap3A_506, %swap3A_507], %swap3A_510 {strides = array<i32>} : memref<64x1024xf32, #tpu.memory_space<vmem>>, vector<1x16xf32>,
        %swap3A_511 = arith.index_cast %scan3A_187 : i32 to index
        %swap3A_512 = arith.constant 992 : index
        %swap3A_513 = tpu.vector_load %arg6[%swap3A_511, %swap3A_512] {strides = array<i32>} : memref<64x1024xf32, #tpu.memory_space<vmem>>, vector<1x16xf32>,
        %swap3A_514 = vector.shape_cast %swap3A_513 : vector<1x16xf32> to vector<16xf32>
        %swap3A_515 = vector.shape_cast %get3A_194 : vector<16xf32> to vector<1x16xf32>
        tpu.vector_store %arg6[%swap3A_511, %swap3A_512], %swap3A_515 {strides = array<i32>} : memref<64x1024xf32, #tpu.memory_space<vmem>>, vector<1x16xf32>,
        %swap3A_516 = arith.index_cast %scan3A_187 : i32 to index
        %swap3A_517 = arith.constant 1008 : index
        %swap3A_518 = tpu.vector_load %arg6[%swap3A_516, %swap3A_517] {strides = array<i32>} : memref<64x1024xf32, #tpu.memory_space<vmem>>, vector<1x16xf32>,
        %swap3A_519 = vector.shape_cast %swap3A_518 : vector<1x16xf32> to vector<16xf32>
        %swap3A_520 = vector.shape_cast %get3A_201 : vector<16xf32> to vector<1x16xf32>
        tpu.vector_store %arg6[%swap3A_516, %swap3A_517], %swap3A_520 {strides = array<i32>} : memref<64x1024xf32, #tpu.memory_space<vmem>>, vector<1x16xf32>,
        %scan3A_521 = arith.constant 0 : i32
        scf.yield %scan3A_521 : i32
      }
      %scan3A_186 = arith.constant 64 : i32
    } else {
    }
    %eq3A_46 = arith.constant 1 : i32
    %eq3A_47 = arith.cmpi eq, %arg0, %eq3A_46 : i32
    %convert_element_type3A_48 = arith.extui %eq3A_47 : i1 to i32
    %cond3A_49 = arith.constant 0 : i32
    %cond3A_50 = arith.cmpi ne, %convert_element_type3A_48, %cond3A_49 : i32
    scf.if %cond3A_50 {
      %scan3A = arith.constant 0 : i32
      %scan3A_181 = arith.constant 0 : i32
      %scan3A_182 = arith.constant 64 : i32
      %scan3A_183 = arith.addi %scan3A_181, %scan3A_182 : i32
      %scan3A_184 = arith.constant 1 : i32
      %scan3A_185 = scf.for %scan3A_187 = %scan3A_181 to %scan3A_183 step %scan3A_184 iter_args(%scan3A_188 = %scan3A) -> (i32)  : i32 {
        %mul3A_189 = arith.constant 32 : i32
        %mul3A_190 = arith.muli %scan3A_187, %mul3A_189 : i32
        %add3A_191 = arith.constant 0 : i32
        %add3A_192 = arith.addi %mul3A_190, %add3A_191 : i32
        %get3A = arith.index_cast %add3A_192 : i32 to index
        %get3A_193 = tpu.vector_load %arg5[%get3A] {strides = array<i32>} : memref<2048xf32, #tpu.memory_space<vmem>>, vector<16xf32>,
        %get3A_194 = vector.shape_cast %get3A_193 : vector<16xf32> to vector<16xf32>
        %mul3A_195 = arith.constant 32 : i32
        %mul3A_196 = arith.muli %scan3A_187, %mul3A_195 : i32
        %add3A_197 = arith.constant 16 : i32
        %add3A_198 = arith.addi %mul3A_196, %add3A_197 : i32
        %get3A_199 = arith.index_cast %add3A_198 : i32 to index
        %get3A_200 = tpu.vector_load %arg5[%get3A_199] {strides = array<i32>} : memref<2048xf32, #tpu.memory_space<vmem>>, vector<16xf32>,
        %get3A_201 = vector.shape_cast %get3A_200 : vector<16xf32> to vector<16xf32>
        %slice3A = vector.extract_strided_slice %get3A_194 {offsets = [0], sizes = [1], strides = [1]} : vector<16xf32> to vector<1xf32>
        %squeeze3A = vector.extract %slice3A[0] : f32 from vector<1xf32>
        %broadcast_in_dim3A = vector.broadcast %squeeze3A : f32 to vector<16xf32>
        %swap3A = arith.index_cast %scan3A_187 : i32 to index
        %swap3A_202 = arith.constant 0 : index
        %swap3A_203 = tpu.vector_load %arg6[%swap3A, %swap3A_202] {strides = array<i32>} : memref<64x1024xf32, #tpu.memory_space<vmem>>, vector<1x16xf32>,
        %swap3A_204 = vector.shape_cast %swap3A_203 : vector<1x16xf32> to vector<16xf32>
        %swap3A_205 = vector.shape_cast %broadcast_in_dim3A : vector<16xf32> to vector<1x16xf32>
        tpu.vector_store %arg6[%swap3A, %swap3A_202], %swap3A_205 {strides = array<i32>} : memref<64x1024xf32, #tpu.memory_space<vmem>>, vector<1x16xf32>,
        %swap3A_206 = arith.index_cast %scan3A_187 : i32 to index
        %swap3A_207 = arith.constant 16 : index
        %swap3A_208 = tpu.vector_load %arg6[%swap3A_206, %swap3A_207] {strides = array<i32>} : memref<64x1024xf32, #tpu.memory_space<vmem>>, vector<1x16xf32>,
        %swap3A_209 = vector.shape_cast %swap3A_208 : vector<1x16xf32> to vector<16xf32>
        %swap3A_210 = vector.shape_cast %broadcast_in_dim3A : vector<16xf32> to vector<1x16xf32>
        tpu.vector_store %arg6[%swap3A_206, %swap3A_207], %swap3A_210 {strides = array<i32>} : memref<64x1024xf32, #tpu.memory_space<vmem>>, vector<1x16xf32>,
        %slice3A_211 = vector.extract_strided_slice %get3A_194 {offsets = [1], sizes = [1], strides = [1]} : vector<16xf32> to vector<1xf32>
        %squeeze3A_212 = vector.extract %slice3A_211[0] : f32 from vector<1xf32>
        %broadcast_in_dim3A_213 = vector.broadcast %squeeze3A_212 : f32 to vector<16xf32>
        %swap3A_214 = arith.index_cast %scan3A_187 : i32 to index
        %swap3A_215 = arith.constant 32 : index
        %swap3A_216 = tpu.vector_load %arg6[%swap3A_214, %swap3A_215] {strides = array<i32>} : memref<64x1024xf32, #tpu.memory_space<vmem>>, vector<1x16xf32>,
        %swap3A_217 = vector.shape_cast %swap3A_216 : vector<1x16xf32> to vector<16xf32>
        %swap3A_218 = vector.shape_cast %broadcast_in_dim3A_213 : vector<16xf32> to vector<1x16xf32>
        tpu.vector_store %arg6[%swap3A_214, %swap3A_215], %swap3A_218 {strides = array<i32>} : memref<64x1024xf32, #tpu.memory_space<vmem>>, vector<1x16xf32>,
        %swap3A_219 = arith.index_cast %scan3A_187 : i32 to index
        %swap3A_220 = arith.constant 48 : index
        %swap3A_221 = tpu.vector_load %arg6[%swap3A_219, %swap3A_220] {strides = array<i32>} : memref<64x1024xf32, #tpu.memory_space<vmem>>, vector<1x16xf32>,
        %swap3A_222 = vector.shape_cast %swap3A_221 : vector<1x16xf32> to vector<16xf32>
        %swap3A_223 = vector.shape_cast %broadcast_in_dim3A_213 : vector<16xf32> to vector<1x16xf32>
        tpu.vector_store %arg6[%swap3A_219, %swap3A_220], %swap3A_223 {strides = array<i32>} : memref<64x1024xf32, #tpu.memory_space<vmem>>, vector<1x16xf32>,
        %slice3A_224 = vector.extract_strided_slice %get3A_194 {offsets = [2], sizes = [1], strides = [1]} : vector<16xf32> to vector<1xf32>
        %squeeze3A_225 = vector.extract %slice3A_224[0] : f32 from vector<1xf32>
        %broadcast_in_dim3A_226 = vector.broadcast %squeeze3A_225 : f32 to vector<16xf32>
        %swap3A_227 = arith.index_cast %scan3A_187 : i32 to index
        %swap3A_228 = arith.constant 64 : index
        %swap3A_229 = tpu.vector_load %arg6[%swap3A_227, %swap3A_228] {strides = array<i32>} : memref<64x1024xf32, #tpu.memory_space<vmem>>, vector<1x16xf32>,
        %swap3A_230 = vector.shape_cast %swap3A_229 : vector<1x16xf32> to vector<16xf32>
        %swap3A_231 = vector.shape_cast %broadcast_in_dim3A_226 : vector<16xf32> to vector<1x16xf32>
        tpu.vector_store %arg6[%swap3A_227, %swap3A_228], %swap3A_231 {strides = array<i32>} : memref<64x1024xf32, #tpu.memory_space<vmem>>, vector<1x16xf32>,
        %swap3A_232 = arith.index_cast %scan3A_187 : i32 to index
        %swap3A_233 = arith.constant 80 : index
        %swap3A_234 = tpu.vector_load %arg6[%swap3A_232, %swap3A_233] {strides = array<i32>} : memref<64x1024xf32, #tpu.memory_space<vmem>>, vector<1x16xf32>,
        %swap3A_235 = vector.shape_cast %swap3A_234 : vector<1x16xf32> to vector<16xf32>
        %swap3A_236 = vector.shape_cast %broadcast_in_dim3A_226 : vector<16xf32> to vector<1x16xf32>
        tpu.vector_store %arg6[%swap3A_232, %swap3A_233], %swap3A_236 {strides = array<i32>} : memref<64x1024xf32, #tpu.memory_space<vmem>>, vector<1x16xf32>,
        %slice3A_237 = vector.extract_strided_slice %get3A_194 {offsets = [3], sizes = [1], strides = [1]} : vector<16xf32> to vector<1xf32>
        %squeeze3A_238 = vector.extract %slice3A_237[0] : f32 from vector<1xf32>
        %broadcast_in_dim3A_239 = vector.broadcast %squeeze3A_238 : f32 to vector<16xf32>
        %swap3A_240 = arith.index_cast %scan3A_187 : i32 to index
        %swap3A_241 = arith.constant 96 : index
        %swap3A_242 = tpu.vector_load %arg6[%swap3A_240, %swap3A_241] {strides = array<i32>} : memref<64x1024xf32, #tpu.memory_space<vmem>>, vector<1x16xf32>,
        %swap3A_243 = vector.shape_cast %swap3A_242 : vector<1x16xf32> to vector<16xf32>
        %swap3A_244 = vector.shape_cast %broadcast_in_dim3A_239 : vector<16xf32> to vector<1x16xf32>
        tpu.vector_store %arg6[%swap3A_240, %swap3A_241], %swap3A_244 {strides = array<i32>} : memref<64x1024xf32, #tpu.memory_space<vmem>>, vector<1x16xf32>,
        %swap3A_245 = arith.index_cast %scan3A_187 : i32 to index
        %swap3A_246 = arith.constant 112 : index
        %swap3A_247 = tpu.vector_load %arg6[%swap3A_245, %swap3A_246] {strides = array<i32>} : memref<64x1024xf32, #tpu.memory_space<vmem>>, vector<1x16xf32>,
        %swap3A_248 = vector.shape_cast %swap3A_247 : vector<1x16xf32> to vector<16xf32>
        %swap3A_249 = vector.shape_cast %broadcast_in_dim3A_239 : vector<16xf32> to vector<1x16xf32>
        tpu.vector_store %arg6[%swap3A_245, %swap3A_246], %swap3A_249 {strides = array<i32>} : memref<64x1024xf32, #tpu.memory_space<vmem>>, vector<1x16xf32>,
        %slice3A_250 = vector.extract_strided_slice %get3A_194 {offsets = [4], sizes = [1], strides = [1]} : vector<16xf32> to vector<1xf32>
        %squeeze3A_251 = vector.extract %slice3A_250[0] : f32 from vector<1xf32>
        %broadcast_in_dim3A_252 = vector.broadcast %squeeze3A_251 : f32 to vector<16xf32>
        %swap3A_253 = arith.index_cast %scan3A_187 : i32 to index
        %swap3A_254 = arith.constant 128 : index
        %swap3A_255 = tpu.vector_load %arg6[%swap3A_253, %swap3A_254] {strides = array<i32>} : memref<64x1024xf32, #tpu.memory_space<vmem>>, vector<1x16xf32>,
        %swap3A_256 = vector.shape_cast %swap3A_255 : vector<1x16xf32> to vector<16xf32>
        %swap3A_257 = vector.shape_cast %broadcast_in_dim3A_252 : vector<16xf32> to vector<1x16xf32>
        tpu.vector_store %arg6[%swap3A_253, %swap3A_254], %swap3A_257 {strides = array<i32>} : memref<64x1024xf32, #tpu.memory_space<vmem>>, vector<1x16xf32>,
        %swap3A_258 = arith.index_cast %scan3A_187 : i32 to index
        %swap3A_259 = arith.constant 144 : index
        %swap3A_260 = tpu.vector_load %arg6[%swap3A_258, %swap3A_259] {strides = array<i32>} : memref<64x1024xf32, #tpu.memory_space<vmem>>, vector<1x16xf32>,
        %swap3A_261 = vector.shape_cast %swap3A_260 : vector<1x16xf32> to vector<16xf32>
        %swap3A_262 = vector.shape_cast %broadcast_in_dim3A_252 : vector<16xf32> to vector<1x16xf32>
        tpu.vector_store %arg6[%swap3A_258, %swap3A_259], %swap3A_262 {strides = array<i32>} : memref<64x1024xf32, #tpu.memory_space<vmem>>, vector<1x16xf32>,
        %slice3A_263 = vector.extract_strided_slice %get3A_194 {offsets = [5], sizes = [1], strides = [1]} : vector<16xf32> to vector<1xf32>
        %squeeze3A_264 = vector.extract %slice3A_263[0] : f32 from vector<1xf32>
        %broadcast_in_dim3A_265 = vector.broadcast %squeeze3A_264 : f32 to vector<16xf32>
        %swap3A_266 = arith.index_cast %scan3A_187 : i32 to index
        %swap3A_267 = arith.constant 160 : index
        %swap3A_268 = tpu.vector_load %arg6[%swap3A_266, %swap3A_267] {strides = array<i32>} : memref<64x1024xf32, #tpu.memory_space<vmem>>, vector<1x16xf32>,
        %swap3A_269 = vector.shape_cast %swap3A_268 : vector<1x16xf32> to vector<16xf32>
        %swap3A_270 = vector.shape_cast %broadcast_in_dim3A_265 : vector<16xf32> to vector<1x16xf32>
        tpu.vector_store %arg6[%swap3A_266, %swap3A_267], %swap3A_270 {strides = array<i32>} : memref<64x1024xf32, #tpu.memory_space<vmem>>, vector<1x16xf32>,
        %swap3A_271 = arith.index_cast %scan3A_187 : i32 to index
        %swap3A_272 = arith.constant 176 : index
        %swap3A_273 = tpu.vector_load %arg6[%swap3A_271, %swap3A_272] {strides = array<i32>} : memref<64x1024xf32, #tpu.memory_space<vmem>>, vector<1x16xf32>,
        %swap3A_274 = vector.shape_cast %swap3A_273 : vector<1x16xf32> to vector<16xf32>
        %swap3A_275 = vector.shape_cast %broadcast_in_dim3A_265 : vector<16xf32> to vector<1x16xf32>
        tpu.vector_store %arg6[%swap3A_271, %swap3A_272], %swap3A_275 {strides = array<i32>} : memref<64x1024xf32, #tpu.memory_space<vmem>>, vector<1x16xf32>,
        %slice3A_276 = vector.extract_strided_slice %get3A_194 {offsets = [6], sizes = [1], strides = [1]} : vector<16xf32> to vector<1xf32>
        %squeeze3A_277 = vector.extract %slice3A_276[0] : f32 from vector<1xf32>
        %broadcast_in_dim3A_278 = vector.broadcast %squeeze3A_277 : f32 to vector<16xf32>
        %swap3A_279 = arith.index_cast %scan3A_187 : i32 to index
        %swap3A_280 = arith.constant 192 : index
        %swap3A_281 = tpu.vector_load %arg6[%swap3A_279, %swap3A_280] {strides = array<i32>} : memref<64x1024xf32, #tpu.memory_space<vmem>>, vector<1x16xf32>,
        %swap3A_282 = vector.shape_cast %swap3A_281 : vector<1x16xf32> to vector<16xf32>
        %swap3A_283 = vector.shape_cast %broadcast_in_dim3A_278 : vector<16xf32> to vector<1x16xf32>
        tpu.vector_store %arg6[%swap3A_279, %swap3A_280], %swap3A_283 {strides = array<i32>} : memref<64x1024xf32, #tpu.memory_space<vmem>>, vector<1x16xf32>,
        %swap3A_284 = arith.index_cast %scan3A_187 : i32 to index
        %swap3A_285 = arith.constant 208 : index
        %swap3A_286 = tpu.vector_load %arg6[%swap3A_284, %swap3A_285] {strides = array<i32>} : memref<64x1024xf32, #tpu.memory_space<vmem>>, vector<1x16xf32>,
        %swap3A_287 = vector.shape_cast %swap3A_286 : vector<1x16xf32> to vector<16xf32>
        %swap3A_288 = vector.shape_cast %broadcast_in_dim3A_278 : vector<16xf32> to vector<1x16xf32>
        tpu.vector_store %arg6[%swap3A_284, %swap3A_285], %swap3A_288 {strides = array<i32>} : memref<64x1024xf32, #tpu.memory_space<vmem>>, vector<1x16xf32>,
        %slice3A_289 = vector.extract_strided_slice %get3A_194 {offsets = [7], sizes = [1], strides = [1]} : vector<16xf32> to vector<1xf32>
        %squeeze3A_290 = vector.extract %slice3A_289[0] : f32 from vector<1xf32>
        %broadcast_in_dim3A_291 = vector.broadcast %squeeze3A_290 : f32 to vector<16xf32>
        %swap3A_292 = arith.index_cast %scan3A_187 : i32 to index
        %swap3A_293 = arith.constant 224 : index
        %swap3A_294 = tpu.vector_load %arg6[%swap3A_292, %swap3A_293] {strides = array<i32>} : memref<64x1024xf32, #tpu.memory_space<vmem>>, vector<1x16xf32>,
        %swap3A_295 = vector.shape_cast %swap3A_294 : vector<1x16xf32> to vector<16xf32>
        %swap3A_296 = vector.shape_cast %broadcast_in_dim3A_291 : vector<16xf32> to vector<1x16xf32>
        tpu.vector_store %arg6[%swap3A_292, %swap3A_293], %swap3A_296 {strides = array<i32>} : memref<64x1024xf32, #tpu.memory_space<vmem>>, vector<1x16xf32>,
        %swap3A_297 = arith.index_cast %scan3A_187 : i32 to index
        %swap3A_298 = arith.constant 240 : index
        %swap3A_299 = tpu.vector_load %arg6[%swap3A_297, %swap3A_298] {strides = array<i32>} : memref<64x1024xf32, #tpu.memory_space<vmem>>, vector<1x16xf32>,
        %swap3A_300 = vector.shape_cast %swap3A_299 : vector<1x16xf32> to vector<16xf32>
        %swap3A_301 = vector.shape_cast %broadcast_in_dim3A_291 : vector<16xf32> to vector<1x16xf32>
        tpu.vector_store %arg6[%swap3A_297, %swap3A_298], %swap3A_301 {strides = array<i32>} : memref<64x1024xf32, #tpu.memory_space<vmem>>, vector<1x16xf32>,
        %slice3A_302 = vector.extract_strided_slice %get3A_194 {offsets = [8], sizes = [1], strides = [1]} : vector<16xf32> to vector<1xf32>
        %squeeze3A_303 = vector.extract %slice3A_302[0] : f32 from vector<1xf32>
        %broadcast_in_dim3A_304 = vector.broadcast %squeeze3A_303 : f32 to vector<16xf32>
        %swap3A_305 = arith.index_cast %scan3A_187 : i32 to index
        %swap3A_306 = arith.constant 256 : index
        %swap3A_307 = tpu.vector_load %arg6[%swap3A_305, %swap3A_306] {strides = array<i32>} : memref<64x1024xf32, #tpu.memory_space<vmem>>, vector<1x16xf32>,
        %swap3A_308 = vector.shape_cast %swap3A_307 : vector<1x16xf32> to vector<16xf32>
        %swap3A_309 = vector.shape_cast %broadcast_in_dim3A_304 : vector<16xf32> to vector<1x16xf32>
        tpu.vector_store %arg6[%swap3A_305, %swap3A_306], %swap3A_309 {strides = array<i32>} : memref<64x1024xf32, #tpu.memory_space<vmem>>, vector<1x16xf32>,
        %swap3A_310 = arith.index_cast %scan3A_187 : i32 to index
        %swap3A_311 = arith.constant 272 : index
        %swap3A_312 = tpu.vector_load %arg6[%swap3A_310, %swap3A_311] {strides = array<i32>} : memref<64x1024xf32, #tpu.memory_space<vmem>>, vector<1x16xf32>,
        %swap3A_313 = vector.shape_cast %swap3A_312 : vector<1x16xf32> to vector<16xf32>
        %swap3A_314 = vector.shape_cast %broadcast_in_dim3A_304 : vector<16xf32> to vector<1x16xf32>
        tpu.vector_store %arg6[%swap3A_310, %swap3A_311], %swap3A_314 {strides = array<i32>} : memref<64x1024xf32, #tpu.memory_space<vmem>>, vector<1x16xf32>,
        %slice3A_315 = vector.extract_strided_slice %get3A_194 {offsets = [9], sizes = [1], strides = [1]} : vector<16xf32> to vector<1xf32>
        %squeeze3A_316 = vector.extract %slice3A_315[0] : f32 from vector<1xf32>
        %broadcast_in_dim3A_317 = vector.broadcast %squeeze3A_316 : f32 to vector<16xf32>
        %swap3A_318 = arith.index_cast %scan3A_187 : i32 to index
        %swap3A_319 = arith.constant 288 : index
        %swap3A_320 = tpu.vector_load %arg6[%swap3A_318, %swap3A_319] {strides = array<i32>} : memref<64x1024xf32, #tpu.memory_space<vmem>>, vector<1x16xf32>,
        %swap3A_321 = vector.shape_cast %swap3A_320 : vector<1x16xf32> to vector<16xf32>
        %swap3A_322 = vector.shape_cast %broadcast_in_dim3A_317 : vector<16xf32> to vector<1x16xf32>
        tpu.vector_store %arg6[%swap3A_318, %swap3A_319], %swap3A_322 {strides = array<i32>} : memref<64x1024xf32, #tpu.memory_space<vmem>>, vector<1x16xf32>,
        %swap3A_323 = arith.index_cast %scan3A_187 : i32 to index
        %swap3A_324 = arith.constant 304 : index
        %swap3A_325 = tpu.vector_load %arg6[%swap3A_323, %swap3A_324] {strides = array<i32>} : memref<64x1024xf32, #tpu.memory_space<vmem>>, vector<1x16xf32>,
        %swap3A_326 = vector.shape_cast %swap3A_325 : vector<1x16xf32> to vector<16xf32>
        %swap3A_327 = vector.shape_cast %broadcast_in_dim3A_317 : vector<16xf32> to vector<1x16xf32>
        tpu.vector_store %arg6[%swap3A_323, %swap3A_324], %swap3A_327 {strides = array<i32>} : memref<64x1024xf32, #tpu.memory_space<vmem>>, vector<1x16xf32>,
        %slice3A_328 = vector.extract_strided_slice %get3A_194 {offsets = [10], sizes = [1], strides = [1]} : vector<16xf32> to vector<1xf32>
        %squeeze3A_329 = vector.extract %slice3A_328[0] : f32 from vector<1xf32>
        %broadcast_in_dim3A_330 = vector.broadcast %squeeze3A_329 : f32 to vector<16xf32>
        %swap3A_331 = arith.index_cast %scan3A_187 : i32 to index
        %swap3A_332 = arith.constant 320 : index
        %swap3A_333 = tpu.vector_load %arg6[%swap3A_331, %swap3A_332] {strides = array<i32>} : memref<64x1024xf32, #tpu.memory_space<vmem>>, vector<1x16xf32>,
        %swap3A_334 = vector.shape_cast %swap3A_333 : vector<1x16xf32> to vector<16xf32>
        %swap3A_335 = vector.shape_cast %broadcast_in_dim3A_330 : vector<16xf32> to vector<1x16xf32>
        tpu.vector_store %arg6[%swap3A_331, %swap3A_332], %swap3A_335 {strides = array<i32>} : memref<64x1024xf32, #tpu.memory_space<vmem>>, vector<1x16xf32>,
        %swap3A_336 = arith.index_cast %scan3A_187 : i32 to index
        %swap3A_337 = arith.constant 336 : index
        %swap3A_338 = tpu.vector_load %arg6[%swap3A_336, %swap3A_337] {strides = array<i32>} : memref<64x1024xf32, #tpu.memory_space<vmem>>, vector<1x16xf32>,
        %swap3A_339 = vector.shape_cast %swap3A_338 : vector<1x16xf32> to vector<16xf32>
        %swap3A_340 = vector.shape_cast %broadcast_in_dim3A_330 : vector<16xf32> to vector<1x16xf32>
        tpu.vector_store %arg6[%swap3A_336, %swap3A_337], %swap3A_340 {strides = array<i32>} : memref<64x1024xf32, #tpu.memory_space<vmem>>, vector<1x16xf32>,
        %slice3A_341 = vector.extract_strided_slice %get3A_194 {offsets = [11], sizes = [1], strides = [1]} : vector<16xf32> to vector<1xf32>
        %squeeze3A_342 = vector.extract %slice3A_341[0] : f32 from vector<1xf32>
        %broadcast_in_dim3A_343 = vector.broadcast %squeeze3A_342 : f32 to vector<16xf32>
        %swap3A_344 = arith.index_cast %scan3A_187 : i32 to index
        %swap3A_345 = arith.constant 352 : index
        %swap3A_346 = tpu.vector_load %arg6[%swap3A_344, %swap3A_345] {strides = array<i32>} : memref<64x1024xf32, #tpu.memory_space<vmem>>, vector<1x16xf32>,
        %swap3A_347 = vector.shape_cast %swap3A_346 : vector<1x16xf32> to vector<16xf32>
        %swap3A_348 = vector.shape_cast %broadcast_in_dim3A_343 : vector<16xf32> to vector<1x16xf32>
        tpu.vector_store %arg6[%swap3A_344, %swap3A_345], %swap3A_348 {strides = array<i32>} : memref<64x1024xf32, #tpu.memory_space<vmem>>, vector<1x16xf32>,
        %swap3A_349 = arith.index_cast %scan3A_187 : i32 to index
        %swap3A_350 = arith.constant 368 : index
        %swap3A_351 = tpu.vector_load %arg6[%swap3A_349, %swap3A_350] {strides = array<i32>} : memref<64x1024xf32, #tpu.memory_space<vmem>>, vector<1x16xf32>,
        %swap3A_352 = vector.shape_cast %swap3A_351 : vector<1x16xf32> to vector<16xf32>
        %swap3A_353 = vector.shape_cast %broadcast_in_dim3A_343 : vector<16xf32> to vector<1x16xf32>
        tpu.vector_store %arg6[%swap3A_349, %swap3A_350], %swap3A_353 {strides = array<i32>} : memref<64x1024xf32, #tpu.memory_space<vmem>>, vector<1x16xf32>,
        %slice3A_354 = vector.extract_strided_slice %get3A_194 {offsets = [12], sizes = [1], strides = [1]} : vector<16xf32> to vector<1xf32>
        %squeeze3A_355 = vector.extract %slice3A_354[0] : f32 from vector<1xf32>
        %broadcast_in_dim3A_356 = vector.broadcast %squeeze3A_355 : f32 to vector<16xf32>
        %swap3A_357 = arith.index_cast %scan3A_187 : i32 to index
        %swap3A_358 = arith.constant 384 : index
        %swap3A_359 = tpu.vector_load %arg6[%swap3A_357, %swap3A_358] {strides = array<i32>} : memref<64x1024xf32, #tpu.memory_space<vmem>>, vector<1x16xf32>,
        %swap3A_360 = vector.shape_cast %swap3A_359 : vector<1x16xf32> to vector<16xf32>
        %swap3A_361 = vector.shape_cast %broadcast_in_dim3A_356 : vector<16xf32> to vector<1x16xf32>
        tpu.vector_store %arg6[%swap3A_357, %swap3A_358], %swap3A_361 {strides = array<i32>} : memref<64x1024xf32, #tpu.memory_space<vmem>>, vector<1x16xf32>,
        %swap3A_362 = arith.index_cast %scan3A_187 : i32 to index
        %swap3A_363 = arith.constant 400 : index
        %swap3A_364 = tpu.vector_load %arg6[%swap3A_362, %swap3A_363] {strides = array<i32>} : memref<64x1024xf32, #tpu.memory_space<vmem>>, vector<1x16xf32>,
        %swap3A_365 = vector.shape_cast %swap3A_364 : vector<1x16xf32> to vector<16xf32>
        %swap3A_366 = vector.shape_cast %broadcast_in_dim3A_356 : vector<16xf32> to vector<1x16xf32>
        tpu.vector_store %arg6[%swap3A_362, %swap3A_363], %swap3A_366 {strides = array<i32>} : memref<64x1024xf32, #tpu.memory_space<vmem>>, vector<1x16xf32>,
        %slice3A_367 = vector.extract_strided_slice %get3A_194 {offsets = [13], sizes = [1], strides = [1]} : vector<16xf32> to vector<1xf32>
        %squeeze3A_368 = vector.extract %slice3A_367[0] : f32 from vector<1xf32>
        %broadcast_in_dim3A_369 = vector.broadcast %squeeze3A_368 : f32 to vector<16xf32>
        %swap3A_370 = arith.index_cast %scan3A_187 : i32 to index
        %swap3A_371 = arith.constant 416 : index
        %swap3A_372 = tpu.vector_load %arg6[%swap3A_370, %swap3A_371] {strides = array<i32>} : memref<64x1024xf32, #tpu.memory_space<vmem>>, vector<1x16xf32>,
        %swap3A_373 = vector.shape_cast %swap3A_372 : vector<1x16xf32> to vector<16xf32>
        %swap3A_374 = vector.shape_cast %broadcast_in_dim3A_369 : vector<16xf32> to vector<1x16xf32>
        tpu.vector_store %arg6[%swap3A_370, %swap3A_371], %swap3A_374 {strides = array<i32>} : memref<64x1024xf32, #tpu.memory_space<vmem>>, vector<1x16xf32>,
        %swap3A_375 = arith.index_cast %scan3A_187 : i32 to index
        %swap3A_376 = arith.constant 432 : index
        %swap3A_377 = tpu.vector_load %arg6[%swap3A_375, %swap3A_376] {strides = array<i32>} : memref<64x1024xf32, #tpu.memory_space<vmem>>, vector<1x16xf32>,
        %swap3A_378 = vector.shape_cast %swap3A_377 : vector<1x16xf32> to vector<16xf32>
        %swap3A_379 = vector.shape_cast %broadcast_in_dim3A_369 : vector<16xf32> to vector<1x16xf32>
        tpu.vector_store %arg6[%swap3A_375, %swap3A_376], %swap3A_379 {strides = array<i32>} : memref<64x1024xf32, #tpu.memory_space<vmem>>, vector<1x16xf32>,
        %slice3A_380 = vector.extract_strided_slice %get3A_194 {offsets = [14], sizes = [1], strides = [1]} : vector<16xf32> to vector<1xf32>
        %squeeze3A_381 = vector.extract %slice3A_380[0] : f32 from vector<1xf32>
        %broadcast_in_dim3A_382 = vector.broadcast %squeeze3A_381 : f32 to vector<16xf32>
        %swap3A_383 = arith.index_cast %scan3A_187 : i32 to index
        %swap3A_384 = arith.constant 448 : index
        %swap3A_385 = tpu.vector_load %arg6[%swap3A_383, %swap3A_384] {strides = array<i32>} : memref<64x1024xf32, #tpu.memory_space<vmem>>, vector<1x16xf32>,
        %swap3A_386 = vector.shape_cast %swap3A_385 : vector<1x16xf32> to vector<16xf32>
        %swap3A_387 = vector.shape_cast %broadcast_in_dim3A_382 : vector<16xf32> to vector<1x16xf32>
        tpu.vector_store %arg6[%swap3A_383, %swap3A_384], %swap3A_387 {strides = array<i32>} : memref<64x1024xf32, #tpu.memory_space<vmem>>, vector<1x16xf32>,
        %swap3A_388 = arith.index_cast %scan3A_187 : i32 to index
        %swap3A_389 = arith.constant 464 : index
        %swap3A_390 = tpu.vector_load %arg6[%swap3A_388, %swap3A_389] {strides = array<i32>} : memref<64x1024xf32, #tpu.memory_space<vmem>>, vector<1x16xf32>,
        %swap3A_391 = vector.shape_cast %swap3A_390 : vector<1x16xf32> to vector<16xf32>
        %swap3A_392 = vector.shape_cast %broadcast_in_dim3A_382 : vector<16xf32> to vector<1x16xf32>
        tpu.vector_store %arg6[%swap3A_388, %swap3A_389], %swap3A_392 {strides = array<i32>} : memref<64x1024xf32, #tpu.memory_space<vmem>>, vector<1x16xf32>,
        %slice3A_393 = vector.extract_strided_slice %get3A_194 {offsets = [15], sizes = [1], strides = [1]} : vector<16xf32> to vector<1xf32>
        %squeeze3A_394 = vector.extract %slice3A_393[0] : f32 from vector<1xf32>
        %broadcast_in_dim3A_395 = vector.broadcast %squeeze3A_394 : f32 to vector<16xf32>
        %swap3A_396 = arith.index_cast %scan3A_187 : i32 to index
        %swap3A_397 = arith.constant 480 : index
        %swap3A_398 = tpu.vector_load %arg6[%swap3A_396, %swap3A_397] {strides = array<i32>} : memref<64x1024xf32, #tpu.memory_space<vmem>>, vector<1x16xf32>,
        %swap3A_399 = vector.shape_cast %swap3A_398 : vector<1x16xf32> to vector<16xf32>
        %swap3A_400 = vector.shape_cast %broadcast_in_dim3A_395 : vector<16xf32> to vector<1x16xf32>
        tpu.vector_store %arg6[%swap3A_396, %swap3A_397], %swap3A_400 {strides = array<i32>} : memref<64x1024xf32, #tpu.memory_space<vmem>>, vector<1x16xf32>,
        %swap3A_401 = arith.index_cast %scan3A_187 : i32 to index
        %swap3A_402 = arith.constant 496 : index
        %swap3A_403 = tpu.vector_load %arg6[%swap3A_401, %swap3A_402] {strides = array<i32>} : memref<64x1024xf32, #tpu.memory_space<vmem>>, vector<1x16xf32>,
        %swap3A_404 = vector.shape_cast %swap3A_403 : vector<1x16xf32> to vector<16xf32>
        %swap3A_405 = vector.shape_cast %broadcast_in_dim3A_395 : vector<16xf32> to vector<1x16xf32>
        tpu.vector_store %arg6[%swap3A_401, %swap3A_402], %swap3A_405 {strides = array<i32>} : memref<64x1024xf32, #tpu.memory_space<vmem>>, vector<1x16xf32>,
        %slice3A_406 = vector.extract_strided_slice %get3A_201 {offsets = [0], sizes = [1], strides = [1]} : vector<16xf32> to vector<1xf32>
        %squeeze3A_407 = vector.extract %slice3A_406[0] : f32 from vector<1xf32>
        %broadcast_in_dim3A_408 = vector.broadcast %squeeze3A_407 : f32 to vector<16xf32>
        %swap3A_409 = arith.index_cast %scan3A_187 : i32 to index
        %swap3A_410 = arith.constant 512 : index
        %swap3A_411 = tpu.vector_load %arg6[%swap3A_409, %swap3A_410] {strides = array<i32>} : memref<64x1024xf32, #tpu.memory_space<vmem>>, vector<1x16xf32>,
        %swap3A_412 = vector.shape_cast %swap3A_411 : vector<1x16xf32> to vector<16xf32>
        %swap3A_413 = vector.shape_cast %broadcast_in_dim3A_408 : vector<16xf32> to vector<1x16xf32>
        tpu.vector_store %arg6[%swap3A_409, %swap3A_410], %swap3A_413 {strides = array<i32>} : memref<64x1024xf32, #tpu.memory_space<vmem>>, vector<1x16xf32>,
        %swap3A_414 = arith.index_cast %scan3A_187 : i32 to index
        %swap3A_415 = arith.constant 528 : index
        %swap3A_416 = tpu.vector_load %arg6[%swap3A_414, %swap3A_415] {strides = array<i32>} : memref<64x1024xf32, #tpu.memory_space<vmem>>, vector<1x16xf32>,
        %swap3A_417 = vector.shape_cast %swap3A_416 : vector<1x16xf32> to vector<16xf32>
        %swap3A_418 = vector.shape_cast %broadcast_in_dim3A_408 : vector<16xf32> to vector<1x16xf32>
        tpu.vector_store %arg6[%swap3A_414, %swap3A_415], %swap3A_418 {strides = array<i32>} : memref<64x1024xf32, #tpu.memory_space<vmem>>, vector<1x16xf32>,
        %slice3A_419 = vector.extract_strided_slice %get3A_201 {offsets = [1], sizes = [1], strides = [1]} : vector<16xf32> to vector<1xf32>
        %squeeze3A_420 = vector.extract %slice3A_419[0] : f32 from vector<1xf32>
        %broadcast_in_dim3A_421 = vector.broadcast %squeeze3A_420 : f32 to vector<16xf32>
        %swap3A_422 = arith.index_cast %scan3A_187 : i32 to index
        %swap3A_423 = arith.constant 544 : index
        %swap3A_424 = tpu.vector_load %arg6[%swap3A_422, %swap3A_423] {strides = array<i32>} : memref<64x1024xf32, #tpu.memory_space<vmem>>, vector<1x16xf32>,
        %swap3A_425 = vector.shape_cast %swap3A_424 : vector<1x16xf32> to vector<16xf32>
        %swap3A_426 = vector.shape_cast %broadcast_in_dim3A_421 : vector<16xf32> to vector<1x16xf32>
        tpu.vector_store %arg6[%swap3A_422, %swap3A_423], %swap3A_426 {strides = array<i32>} : memref<64x1024xf32, #tpu.memory_space<vmem>>, vector<1x16xf32>,
        %swap3A_427 = arith.index_cast %scan3A_187 : i32 to index
        %swap3A_428 = arith.constant 560 : index
        %swap3A_429 = tpu.vector_load %arg6[%swap3A_427, %swap3A_428] {strides = array<i32>} : memref<64x1024xf32, #tpu.memory_space<vmem>>, vector<1x16xf32>,
        %swap3A_430 = vector.shape_cast %swap3A_429 : vector<1x16xf32> to vector<16xf32>
        %swap3A_431 = vector.shape_cast %broadcast_in_dim3A_421 : vector<16xf32> to vector<1x16xf32>
        tpu.vector_store %arg6[%swap3A_427, %swap3A_428], %swap3A_431 {strides = array<i32>} : memref<64x1024xf32, #tpu.memory_space<vmem>>, vector<1x16xf32>,
        %slice3A_432 = vector.extract_strided_slice %get3A_201 {offsets = [2], sizes = [1], strides = [1]} : vector<16xf32> to vector<1xf32>
        %squeeze3A_433 = vector.extract %slice3A_432[0] : f32 from vector<1xf32>
        %broadcast_in_dim3A_434 = vector.broadcast %squeeze3A_433 : f32 to vector<16xf32>
        %swap3A_435 = arith.index_cast %scan3A_187 : i32 to index
        %swap3A_436 = arith.constant 576 : index
        %swap3A_437 = tpu.vector_load %arg6[%swap3A_435, %swap3A_436] {strides = array<i32>} : memref<64x1024xf32, #tpu.memory_space<vmem>>, vector<1x16xf32>,
        %swap3A_438 = vector.shape_cast %swap3A_437 : vector<1x16xf32> to vector<16xf32>
        %swap3A_439 = vector.shape_cast %broadcast_in_dim3A_434 : vector<16xf32> to vector<1x16xf32>
        tpu.vector_store %arg6[%swap3A_435, %swap3A_436], %swap3A_439 {strides = array<i32>} : memref<64x1024xf32, #tpu.memory_space<vmem>>, vector<1x16xf32>,
        %swap3A_440 = arith.index_cast %scan3A_187 : i32 to index
        %swap3A_441 = arith.constant 592 : index
        %swap3A_442 = tpu.vector_load %arg6[%swap3A_440, %swap3A_441] {strides = array<i32>} : memref<64x1024xf32, #tpu.memory_space<vmem>>, vector<1x16xf32>,
        %swap3A_443 = vector.shape_cast %swap3A_442 : vector<1x16xf32> to vector<16xf32>
        %swap3A_444 = vector.shape_cast %broadcast_in_dim3A_434 : vector<16xf32> to vector<1x16xf32>
        tpu.vector_store %arg6[%swap3A_440, %swap3A_441], %swap3A_444 {strides = array<i32>} : memref<64x1024xf32, #tpu.memory_space<vmem>>, vector<1x16xf32>,
        %slice3A_445 = vector.extract_strided_slice %get3A_201 {offsets = [3], sizes = [1], strides = [1]} : vector<16xf32> to vector<1xf32>
        %squeeze3A_446 = vector.extract %slice3A_445[0] : f32 from vector<1xf32>
        %broadcast_in_dim3A_447 = vector.broadcast %squeeze3A_446 : f32 to vector<16xf32>
        %swap3A_448 = arith.index_cast %scan3A_187 : i32 to index
        %swap3A_449 = arith.constant 608 : index
        %swap3A_450 = tpu.vector_load %arg6[%swap3A_448, %swap3A_449] {strides = array<i32>} : memref<64x1024xf32, #tpu.memory_space<vmem>>, vector<1x16xf32>,
        %swap3A_451 = vector.shape_cast %swap3A_450 : vector<1x16xf32> to vector<16xf32>
        %swap3A_452 = vector.shape_cast %broadcast_in_dim3A_447 : vector<16xf32> to vector<1x16xf32>
        tpu.vector_store %arg6[%swap3A_448, %swap3A_449], %swap3A_452 {strides = array<i32>} : memref<64x1024xf32, #tpu.memory_space<vmem>>, vector<1x16xf32>,
        %swap3A_453 = arith.index_cast %scan3A_187 : i32 to index
        %swap3A_454 = arith.constant 624 : index
        %swap3A_455 = tpu.vector_load %arg6[%swap3A_453, %swap3A_454] {strides = array<i32>} : memref<64x1024xf32, #tpu.memory_space<vmem>>, vector<1x16xf32>,
        %swap3A_456 = vector.shape_cast %swap3A_455 : vector<1x16xf32> to vector<16xf32>
        %swap3A_457 = vector.shape_cast %broadcast_in_dim3A_447 : vector<16xf32> to vector<1x16xf32>
        tpu.vector_store %arg6[%swap3A_453, %swap3A_454], %swap3A_457 {strides = array<i32>} : memref<64x1024xf32, #tpu.memory_space<vmem>>, vector<1x16xf32>,
        %slice3A_458 = vector.extract_strided_slice %get3A_201 {offsets = [4], sizes = [1], strides = [1]} : vector<16xf32> to vector<1xf32>
        %squeeze3A_459 = vector.extract %slice3A_458[0] : f32 from vector<1xf32>
        %broadcast_in_dim3A_460 = vector.broadcast %squeeze3A_459 : f32 to vector<16xf32>
        %swap3A_461 = arith.index_cast %scan3A_187 : i32 to index
        %swap3A_462 = arith.constant 640 : index
        %swap3A_463 = tpu.vector_load %arg6[%swap3A_461, %swap3A_462] {strides = array<i32>} : memref<64x1024xf32, #tpu.memory_space<vmem>>, vector<1x16xf32>,
        %swap3A_464 = vector.shape_cast %swap3A_463 : vector<1x16xf32> to vector<16xf32>
        %swap3A_465 = vector.shape_cast %broadcast_in_dim3A_460 : vector<16xf32> to vector<1x16xf32>
        tpu.vector_store %arg6[%swap3A_461, %swap3A_462], %swap3A_465 {strides = array<i32>} : memref<64x1024xf32, #tpu.memory_space<vmem>>, vector<1x16xf32>,
        %swap3A_466 = arith.index_cast %scan3A_187 : i32 to index
        %swap3A_467 = arith.constant 656 : index
        %swap3A_468 = tpu.vector_load %arg6[%swap3A_466, %swap3A_467] {strides = array<i32>} : memref<64x1024xf32, #tpu.memory_space<vmem>>, vector<1x16xf32>,
        %swap3A_469 = vector.shape_cast %swap3A_468 : vector<1x16xf32> to vector<16xf32>
        %swap3A_470 = vector.shape_cast %broadcast_in_dim3A_460 : vector<16xf32> to vector<1x16xf32>
        tpu.vector_store %arg6[%swap3A_466, %swap3A_467], %swap3A_470 {strides = array<i32>} : memref<64x1024xf32, #tpu.memory_space<vmem>>, vector<1x16xf32>,
        %slice3A_471 = vector.extract_strided_slice %get3A_201 {offsets = [5], sizes = [1], strides = [1]} : vector<16xf32> to vector<1xf32>
        %squeeze3A_472 = vector.extract %slice3A_471[0] : f32 from vector<1xf32>
        %broadcast_in_dim3A_473 = vector.broadcast %squeeze3A_472 : f32 to vector<16xf32>
        %swap3A_474 = arith.index_cast %scan3A_187 : i32 to index
        %swap3A_475 = arith.constant 672 : index
        %swap3A_476 = tpu.vector_load %arg6[%swap3A_474, %swap3A_475] {strides = array<i32>} : memref<64x1024xf32, #tpu.memory_space<vmem>>, vector<1x16xf32>,
        %swap3A_477 = vector.shape_cast %swap3A_476 : vector<1x16xf32> to vector<16xf32>
        %swap3A_478 = vector.shape_cast %broadcast_in_dim3A_473 : vector<16xf32> to vector<1x16xf32>
        tpu.vector_store %arg6[%swap3A_474, %swap3A_475], %swap3A_478 {strides = array<i32>} : memref<64x1024xf32, #tpu.memory_space<vmem>>, vector<1x16xf32>,
        %swap3A_479 = arith.index_cast %scan3A_187 : i32 to index
        %swap3A_480 = arith.constant 688 : index
        %swap3A_481 = tpu.vector_load %arg6[%swap3A_479, %swap3A_480] {strides = array<i32>} : memref<64x1024xf32, #tpu.memory_space<vmem>>, vector<1x16xf32>,
        %swap3A_482 = vector.shape_cast %swap3A_481 : vector<1x16xf32> to vector<16xf32>
        %swap3A_483 = vector.shape_cast %broadcast_in_dim3A_473 : vector<16xf32> to vector<1x16xf32>
        tpu.vector_store %arg6[%swap3A_479, %swap3A_480], %swap3A_483 {strides = array<i32>} : memref<64x1024xf32, #tpu.memory_space<vmem>>, vector<1x16xf32>,
        %slice3A_484 = vector.extract_strided_slice %get3A_201 {offsets = [6], sizes = [1], strides = [1]} : vector<16xf32> to vector<1xf32>
        %squeeze3A_485 = vector.extract %slice3A_484[0] : f32 from vector<1xf32>
        %broadcast_in_dim3A_486 = vector.broadcast %squeeze3A_485 : f32 to vector<16xf32>
        %swap3A_487 = arith.index_cast %scan3A_187 : i32 to index
        %swap3A_488 = arith.constant 704 : index
        %swap3A_489 = tpu.vector_load %arg6[%swap3A_487, %swap3A_488] {strides = array<i32>} : memref<64x1024xf32, #tpu.memory_space<vmem>>, vector<1x16xf32>,
        %swap3A_490 = vector.shape_cast %swap3A_489 : vector<1x16xf32> to vector<16xf32>
        %swap3A_491 = vector.shape_cast %broadcast_in_dim3A_486 : vector<16xf32> to vector<1x16xf32>
        tpu.vector_store %arg6[%swap3A_487, %swap3A_488], %swap3A_491 {strides = array<i32>} : memref<64x1024xf32, #tpu.memory_space<vmem>>, vector<1x16xf32>,
        %swap3A_492 = arith.index_cast %scan3A_187 : i32 to index
        %swap3A_493 = arith.constant 720 : index
        %swap3A_494 = tpu.vector_load %arg6[%swap3A_492, %swap3A_493] {strides = array<i32>} : memref<64x1024xf32, #tpu.memory_space<vmem>>, vector<1x16xf32>,
        %swap3A_495 = vector.shape_cast %swap3A_494 : vector<1x16xf32> to vector<16xf32>
        %swap3A_496 = vector.shape_cast %broadcast_in_dim3A_486 : vector<16xf32> to vector<1x16xf32>
        tpu.vector_store %arg6[%swap3A_492, %swap3A_493], %swap3A_496 {strides = array<i32>} : memref<64x1024xf32, #tpu.memory_space<vmem>>, vector<1x16xf32>,
        %slice3A_497 = vector.extract_strided_slice %get3A_201 {offsets = [7], sizes = [1], strides = [1]} : vector<16xf32> to vector<1xf32>
        %squeeze3A_498 = vector.extract %slice3A_497[0] : f32 from vector<1xf32>
        %broadcast_in_dim3A_499 = vector.broadcast %squeeze3A_498 : f32 to vector<16xf32>
        %swap3A_500 = arith.index_cast %scan3A_187 : i32 to index
        %swap3A_501 = arith.constant 736 : index
        %swap3A_502 = tpu.vector_load %arg6[%swap3A_500, %swap3A_501] {strides = array<i32>} : memref<64x1024xf32, #tpu.memory_space<vmem>>, vector<1x16xf32>,
        %swap3A_503 = vector.shape_cast %swap3A_502 : vector<1x16xf32> to vector<16xf32>
        %swap3A_504 = vector.shape_cast %broadcast_in_dim3A_499 : vector<16xf32> to vector<1x16xf32>
        tpu.vector_store %arg6[%swap3A_500, %swap3A_501], %swap3A_504 {strides = array<i32>} : memref<64x1024xf32, #tpu.memory_space<vmem>>, vector<1x16xf32>,
        %swap3A_505 = arith.index_cast %scan3A_187 : i32 to index
        %swap3A_506 = arith.constant 752 : index
        %swap3A_507 = tpu.vector_load %arg6[%swap3A_505, %swap3A_506] {strides = array<i32>} : memref<64x1024xf32, #tpu.memory_space<vmem>>, vector<1x16xf32>,
        %swap3A_508 = vector.shape_cast %swap3A_507 : vector<1x16xf32> to vector<16xf32>
        %swap3A_509 = vector.shape_cast %broadcast_in_dim3A_499 : vector<16xf32> to vector<1x16xf32>
        tpu.vector_store %arg6[%swap3A_505, %swap3A_506], %swap3A_509 {strides = array<i32>} : memref<64x1024xf32, #tpu.memory_space<vmem>>, vector<1x16xf32>,
        %slice3A_510 = vector.extract_strided_slice %get3A_201 {offsets = [8], sizes = [1], strides = [1]} : vector<16xf32> to vector<1xf32>
        %squeeze3A_511 = vector.extract %slice3A_510[0] : f32 from vector<1xf32>
        %broadcast_in_dim3A_512 = vector.broadcast %squeeze3A_511 : f32 to vector<16xf32>
        %swap3A_513 = arith.index_cast %scan3A_187 : i32 to index
        %swap3A_514 = arith.constant 768 : index
        %swap3A_515 = tpu.vector_load %arg6[%swap3A_513, %swap3A_514] {strides = array<i32>} : memref<64x1024xf32, #tpu.memory_space<vmem>>, vector<1x16xf32>,
        %swap3A_516 = vector.shape_cast %swap3A_515 : vector<1x16xf32> to vector<16xf32>
        %swap3A_517 = vector.shape_cast %broadcast_in_dim3A_512 : vector<16xf32> to vector<1x16xf32>
        tpu.vector_store %arg6[%swap3A_513, %swap3A_514], %swap3A_517 {strides = array<i32>} : memref<64x1024xf32, #tpu.memory_space<vmem>>, vector<1x16xf32>,
        %swap3A_518 = arith.index_cast %scan3A_187 : i32 to index
        %swap3A_519 = arith.constant 784 : index
        %swap3A_520 = tpu.vector_load %arg6[%swap3A_518, %swap3A_519] {strides = array<i32>} : memref<64x1024xf32, #tpu.memory_space<vmem>>, vector<1x16xf32>,
        %swap3A_521 = vector.shape_cast %swap3A_520 : vector<1x16xf32> to vector<16xf32>
        %swap3A_522 = vector.shape_cast %broadcast_in_dim3A_512 : vector<16xf32> to vector<1x16xf32>
        tpu.vector_store %arg6[%swap3A_518, %swap3A_519], %swap3A_522 {strides = array<i32>} : memref<64x1024xf32, #tpu.memory_space<vmem>>, vector<1x16xf32>,
        %slice3A_523 = vector.extract_strided_slice %get3A_201 {offsets = [9], sizes = [1], strides = [1]} : vector<16xf32> to vector<1xf32>
        %squeeze3A_524 = vector.extract %slice3A_523[0] : f32 from vector<1xf32>
        %broadcast_in_dim3A_525 = vector.broadcast %squeeze3A_524 : f32 to vector<16xf32>
        %swap3A_526 = arith.index_cast %scan3A_187 : i32 to index
        %swap3A_527 = arith.constant 800 : index
        %swap3A_528 = tpu.vector_load %arg6[%swap3A_526, %swap3A_527] {strides = array<i32>} : memref<64x1024xf32, #tpu.memory_space<vmem>>, vector<1x16xf32>,
        %swap3A_529 = vector.shape_cast %swap3A_528 : vector<1x16xf32> to vector<16xf32>
        %swap3A_530 = vector.shape_cast %broadcast_in_dim3A_525 : vector<16xf32> to vector<1x16xf32>
        tpu.vector_store %arg6[%swap3A_526, %swap3A_527], %swap3A_530 {strides = array<i32>} : memref<64x1024xf32, #tpu.memory_space<vmem>>, vector<1x16xf32>,
        %swap3A_531 = arith.index_cast %scan3A_187 : i32 to index
        %swap3A_532 = arith.constant 816 : index
        %swap3A_533 = tpu.vector_load %arg6[%swap3A_531, %swap3A_532] {strides = array<i32>} : memref<64x1024xf32, #tpu.memory_space<vmem>>, vector<1x16xf32>,
        %swap3A_534 = vector.shape_cast %swap3A_533 : vector<1x16xf32> to vector<16xf32>
        %swap3A_535 = vector.shape_cast %broadcast_in_dim3A_525 : vector<16xf32> to vector<1x16xf32>
        tpu.vector_store %arg6[%swap3A_531, %swap3A_532], %swap3A_535 {strides = array<i32>} : memref<64x1024xf32, #tpu.memory_space<vmem>>, vector<1x16xf32>,
        %slice3A_536 = vector.extract_strided_slice %get3A_201 {offsets = [10], sizes = [1], strides = [1]} : vector<16xf32> to vector<1xf32>
        %squeeze3A_537 = vector.extract %slice3A_536[0] : f32 from vector<1xf32>
        %broadcast_in_dim3A_538 = vector.broadcast %squeeze3A_537 : f32 to vector<16xf32>
        %swap3A_539 = arith.index_cast %scan3A_187 : i32 to index
        %swap3A_540 = arith.constant 832 : index
        %swap3A_541 = tpu.vector_load %arg6[%swap3A_539, %swap3A_540] {strides = array<i32>} : memref<64x1024xf32, #tpu.memory_space<vmem>>, vector<1x16xf32>,
        %swap3A_542 = vector.shape_cast %swap3A_541 : vector<1x16xf32> to vector<16xf32>
        %swap3A_543 = vector.shape_cast %broadcast_in_dim3A_538 : vector<16xf32> to vector<1x16xf32>
        tpu.vector_store %arg6[%swap3A_539, %swap3A_540], %swap3A_543 {strides = array<i32>} : memref<64x1024xf32, #tpu.memory_space<vmem>>, vector<1x16xf32>,
        %swap3A_544 = arith.index_cast %scan3A_187 : i32 to index
        %swap3A_545 = arith.constant 848 : index
        %swap3A_546 = tpu.vector_load %arg6[%swap3A_544, %swap3A_545] {strides = array<i32>} : memref<64x1024xf32, #tpu.memory_space<vmem>>, vector<1x16xf32>,
        %swap3A_547 = vector.shape_cast %swap3A_546 : vector<1x16xf32> to vector<16xf32>
        %swap3A_548 = vector.shape_cast %broadcast_in_dim3A_538 : vector<16xf32> to vector<1x16xf32>
        tpu.vector_store %arg6[%swap3A_544, %swap3A_545], %swap3A_548 {strides = array<i32>} : memref<64x1024xf32, #tpu.memory_space<vmem>>, vector<1x16xf32>,
        %slice3A_549 = vector.extract_strided_slice %get3A_201 {offsets = [11], sizes = [1], strides = [1]} : vector<16xf32> to vector<1xf32>
        %squeeze3A_550 = vector.extract %slice3A_549[0] : f32 from vector<1xf32>
        %broadcast_in_dim3A_551 = vector.broadcast %squeeze3A_550 : f32 to vector<16xf32>
        %swap3A_552 = arith.index_cast %scan3A_187 : i32 to index
        %swap3A_553 = arith.constant 864 : index
        %swap3A_554 = tpu.vector_load %arg6[%swap3A_552, %swap3A_553] {strides = array<i32>} : memref<64x1024xf32, #tpu.memory_space<vmem>>, vector<1x16xf32>,
        %swap3A_555 = vector.shape_cast %swap3A_554 : vector<1x16xf32> to vector<16xf32>
        %swap3A_556 = vector.shape_cast %broadcast_in_dim3A_551 : vector<16xf32> to vector<1x16xf32>
        tpu.vector_store %arg6[%swap3A_552, %swap3A_553], %swap3A_556 {strides = array<i32>} : memref<64x1024xf32, #tpu.memory_space<vmem>>, vector<1x16xf32>,
        %swap3A_557 = arith.index_cast %scan3A_187 : i32 to index
        %swap3A_558 = arith.constant 880 : index
        %swap3A_559 = tpu.vector_load %arg6[%swap3A_557, %swap3A_558] {strides = array<i32>} : memref<64x1024xf32, #tpu.memory_space<vmem>>, vector<1x16xf32>,
        %swap3A_560 = vector.shape_cast %swap3A_559 : vector<1x16xf32> to vector<16xf32>
        %swap3A_561 = vector.shape_cast %broadcast_in_dim3A_551 : vector<16xf32> to vector<1x16xf32>
        tpu.vector_store %arg6[%swap3A_557, %swap3A_558], %swap3A_561 {strides = array<i32>} : memref<64x1024xf32, #tpu.memory_space<vmem>>, vector<1x16xf32>,
        %slice3A_562 = vector.extract_strided_slice %get3A_201 {offsets = [12], sizes = [1], strides = [1]} : vector<16xf32> to vector<1xf32>
        %squeeze3A_563 = vector.extract %slice3A_562[0] : f32 from vector<1xf32>
        %broadcast_in_dim3A_564 = vector.broadcast %squeeze3A_563 : f32 to vector<16xf32>
        %swap3A_565 = arith.index_cast %scan3A_187 : i32 to index
        %swap3A_566 = arith.constant 896 : index
        %swap3A_567 = tpu.vector_load %arg6[%swap3A_565, %swap3A_566] {strides = array<i32>} : memref<64x1024xf32, #tpu.memory_space<vmem>>, vector<1x16xf32>,
        %swap3A_568 = vector.shape_cast %swap3A_567 : vector<1x16xf32> to vector<16xf32>
        %swap3A_569 = vector.shape_cast %broadcast_in_dim3A_564 : vector<16xf32> to vector<1x16xf32>
        tpu.vector_store %arg6[%swap3A_565, %swap3A_566], %swap3A_569 {strides = array<i32>} : memref<64x1024xf32, #tpu.memory_space<vmem>>, vector<1x16xf32>,
        %swap3A_570 = arith.index_cast %scan3A_187 : i32 to index
        %swap3A_571 = arith.constant 912 : index
        %swap3A_572 = tpu.vector_load %arg6[%swap3A_570, %swap3A_571] {strides = array<i32>} : memref<64x1024xf32, #tpu.memory_space<vmem>>, vector<1x16xf32>,
        %swap3A_573 = vector.shape_cast %swap3A_572 : vector<1x16xf32> to vector<16xf32>
        %swap3A_574 = vector.shape_cast %broadcast_in_dim3A_564 : vector<16xf32> to vector<1x16xf32>
        tpu.vector_store %arg6[%swap3A_570, %swap3A_571], %swap3A_574 {strides = array<i32>} : memref<64x1024xf32, #tpu.memory_space<vmem>>, vector<1x16xf32>,
        %slice3A_575 = vector.extract_strided_slice %get3A_201 {offsets = [13], sizes = [1], strides = [1]} : vector<16xf32> to vector<1xf32>
        %squeeze3A_576 = vector.extract %slice3A_575[0] : f32 from vector<1xf32>
        %broadcast_in_dim3A_577 = vector.broadcast %squeeze3A_576 : f32 to vector<16xf32>
        %swap3A_578 = arith.index_cast %scan3A_187 : i32 to index
        %swap3A_579 = arith.constant 928 : index
        %swap3A_580 = tpu.vector_load %arg6[%swap3A_578, %swap3A_579] {strides = array<i32>} : memref<64x1024xf32, #tpu.memory_space<vmem>>, vector<1x16xf32>,
        %swap3A_581 = vector.shape_cast %swap3A_580 : vector<1x16xf32> to vector<16xf32>
        %swap3A_582 = vector.shape_cast %broadcast_in_dim3A_577 : vector<16xf32> to vector<1x16xf32>
        tpu.vector_store %arg6[%swap3A_578, %swap3A_579], %swap3A_582 {strides = array<i32>} : memref<64x1024xf32, #tpu.memory_space<vmem>>, vector<1x16xf32>,
        %swap3A_583 = arith.index_cast %scan3A_187 : i32 to index
        %swap3A_584 = arith.constant 944 : index
        %swap3A_585 = tpu.vector_load %arg6[%swap3A_583, %swap3A_584] {strides = array<i32>} : memref<64x1024xf32, #tpu.memory_space<vmem>>, vector<1x16xf32>,
        %swap3A_586 = vector.shape_cast %swap3A_585 : vector<1x16xf32> to vector<16xf32>
        %swap3A_587 = vector.shape_cast %broadcast_in_dim3A_577 : vector<16xf32> to vector<1x16xf32>
        tpu.vector_store %arg6[%swap3A_583, %swap3A_584], %swap3A_587 {strides = array<i32>} : memref<64x1024xf32, #tpu.memory_space<vmem>>, vector<1x16xf32>,
        %slice3A_588 = vector.extract_strided_slice %get3A_201 {offsets = [14], sizes = [1], strides = [1]} : vector<16xf32> to vector<1xf32>
        %squeeze3A_589 = vector.extract %slice3A_588[0] : f32 from vector<1xf32>
        %broadcast_in_dim3A_590 = vector.broadcast %squeeze3A_589 : f32 to vector<16xf32>
        %swap3A_591 = arith.index_cast %scan3A_187 : i32 to index
        %swap3A_592 = arith.constant 960 : index
        %swap3A_593 = tpu.vector_load %arg6[%swap3A_591, %swap3A_592] {strides = array<i32>} : memref<64x1024xf32, #tpu.memory_space<vmem>>, vector<1x16xf32>,
        %swap3A_594 = vector.shape_cast %swap3A_593 : vector<1x16xf32> to vector<16xf32>
        %swap3A_595 = vector.shape_cast %broadcast_in_dim3A_590 : vector<16xf32> to vector<1x16xf32>
        tpu.vector_store %arg6[%swap3A_591, %swap3A_592], %swap3A_595 {strides = array<i32>} : memref<64x1024xf32, #tpu.memory_space<vmem>>, vector<1x16xf32>,
        %swap3A_596 = arith.index_cast %scan3A_187 : i32 to index
        %swap3A_597 = arith.constant 976 : index
        %swap3A_598 = tpu.vector_load %arg6[%swap3A_596, %swap3A_597] {strides = array<i32>} : memref<64x1024xf32, #tpu.memory_space<vmem>>, vector<1x16xf32>,
        %swap3A_599 = vector.shape_cast %swap3A_598 : vector<1x16xf32> to vector<16xf32>
        %swap3A_600 = vector.shape_cast %broadcast_in_dim3A_590 : vector<16xf32> to vector<1x16xf32>
        tpu.vector_store %arg6[%swap3A_596, %swap3A_597], %swap3A_600 {strides = array<i32>} : memref<64x1024xf32, #tpu.memory_space<vmem>>, vector<1x16xf32>,
        %slice3A_601 = vector.extract_strided_slice %get3A_201 {offsets = [15], sizes = [1], strides = [1]} : vector<16xf32> to vector<1xf32>
        %squeeze3A_602 = vector.extract %slice3A_601[0] : f32 from vector<1xf32>
        %broadcast_in_dim3A_603 = vector.broadcast %squeeze3A_602 : f32 to vector<16xf32>
        %swap3A_604 = arith.index_cast %scan3A_187 : i32 to index
        %swap3A_605 = arith.constant 992 : index
        %swap3A_606 = tpu.vector_load %arg6[%swap3A_604, %swap3A_605] {strides = array<i32>} : memref<64x1024xf32, #tpu.memory_space<vmem>>, vector<1x16xf32>,
        %swap3A_607 = vector.shape_cast %swap3A_606 : vector<1x16xf32> to vector<16xf32>
        %swap3A_608 = vector.shape_cast %broadcast_in_dim3A_603 : vector<16xf32> to vector<1x16xf32>
        tpu.vector_store %arg6[%swap3A_604, %swap3A_605], %swap3A_608 {strides = array<i32>} : memref<64x1024xf32, #tpu.memory_space<vmem>>, vector<1x16xf32>,
        %swap3A_609 = arith.index_cast %scan3A_187 : i32 to index
        %swap3A_610 = arith.constant 1008 : index
        %swap3A_611 = tpu.vector_load %arg6[%swap3A_609, %swap3A_610] {strides = array<i32>} : memref<64x1024xf32, #tpu.memory_space<vmem>>, vector<1x16xf32>,
        %swap3A_612 = vector.shape_cast %swap3A_611 : vector<1x16xf32> to vector<16xf32>
        %swap3A_613 = vector.shape_cast %broadcast_in_dim3A_603 : vector<16xf32> to vector<1x16xf32>
        tpu.vector_store %arg6[%swap3A_609, %swap3A_610], %swap3A_613 {strides = array<i32>} : memref<64x1024xf32, #tpu.memory_space<vmem>>, vector<1x16xf32>,
        %scan3A_614 = arith.constant 0 : i32
        scf.yield %scan3A_614 : i32
      }
      %scan3A_186 = arith.constant 64 : i32
    } else {
    }
    %mul3A_51 = arith.constant 64 : i32
    %mul3A_52 = arith.muli %add3A_30, %mul3A_51 : i32
    %mul3A_53 = arith.constant 8 : i32
    %mul3A_54 = arith.muli %select_n3A_28, %mul3A_53 : i32
    %add3A_55 = arith.constant 0 : i32
    %add3A_56 = arith.addi %mul3A_54, %add3A_55 : i32
    %dma_start3A = arith.constant 0 : i32
    %dma_start3A_57 = tpu.memref_slice %arg4[%add3A_56, %mul3A_52, %dma_start3A] : memref<64x256x1024xf32, #tpu.memory_space<hbm>> -> memref<1x64x1024xf32, #tpu.memory_space<hbm>>
    %dma_start3A_58 = tpu.memref_squeeze %dma_start3A_57 : memref<1x64x1024xf32, #tpu.memory_space<hbm>> -> memref<64x1024xf32, #tpu.memory_space<hbm>>
    %dma_start3A_59 = arith.constant 0 : i32
    %dma_start3A_60 = tpu.memref_slice %arg4[%add3A_56, %mul3A_52, %dma_start3A_59] : memref<64x256x1024xf32, #tpu.memory_space<hbm>> -> memref<1x64x1024xf32, #tpu.memory_space<hbm>>
    %dma_start3A_61 = tpu.memref_squeeze %dma_start3A_60 : memref<1x64x1024xf32, #tpu.memory_space<hbm>> -> memref<64x1024xf32, #tpu.memory_space<hbm>>
    tpu.enqueue_dma source(%arg6 : memref<64x1024xf32, #tpu.memory_space<vmem>>) target(%dma_start3A_61 : memref<64x1024xf32, #tpu.memory_space<hbm>>) target_semaphore(%arg7 : memref<!tpu.dma_semaphore, #tpu.memory_space<semaphore_mem>>)
    %add3A_62 = arith.constant 1 : i32
    %add3A_63 = arith.addi %mul3A_54, %add3A_62 : i32
    %dma_start3A_64 = arith.constant 0 : i32
    %dma_start3A_65 = tpu.memref_slice %arg4[%add3A_63, %mul3A_52, %dma_start3A_64] : memref<64x256x1024xf32, #tpu.memory_space<hbm>> -> memref<1x64x1024xf32, #tpu.memory_space<hbm>>
    %dma_start3A_66 = tpu.memref_squeeze %dma_start3A_65 : memref<1x64x1024xf32, #tpu.memory_space<hbm>> -> memref<64x1024xf32, #tpu.memory_space<hbm>>
    %dma_start3A_67 = arith.constant 0 : i32
    %dma_start3A_68 = tpu.memref_slice %arg4[%add3A_63, %mul3A_52, %dma_start3A_67] : memref<64x256x1024xf32, #tpu.memory_space<hbm>> -> memref<1x64x1024xf32, #tpu.memory_space<hbm>>
    %dma_start3A_69 = tpu.memref_squeeze %dma_start3A_68 : memref<1x64x1024xf32, #tpu.memory_space<hbm>> -> memref<64x1024xf32, #tpu.memory_space<hbm>>
    tpu.enqueue_dma source(%arg6 : memref<64x1024xf32, #tpu.memory_space<vmem>>) target(%dma_start3A_69 : memref<64x1024xf32, #tpu.memory_space<hbm>>) target_semaphore(%arg7 : memref<!tpu.dma_semaphore, #tpu.memory_space<semaphore_mem>>)
    %add3A_70 = arith.constant 2 : i32
    %add3A_71 = arith.addi %mul3A_54, %add3A_70 : i32
    %dma_start3A_72 = arith.constant 0 : i32
    %dma_start3A_73 = tpu.memref_slice %arg4[%add3A_71, %mul3A_52, %dma_start3A_72] : memref<64x256x1024xf32, #tpu.memory_space<hbm>> -> memref<1x64x1024xf32, #tpu.memory_space<hbm>>
    %dma_start3A_74 = tpu.memref_squeeze %dma_start3A_73 : memref<1x64x1024xf32, #tpu.memory_space<hbm>> -> memref<64x1024xf32, #tpu.memory_space<hbm>>
    %dma_start3A_75 = arith.constant 0 : i32
    %dma_start3A_76 = tpu.memref_slice %arg4[%add3A_71, %mul3A_52, %dma_start3A_75] : memref<64x256x1024xf32, #tpu.memory_space<hbm>> -> memref<1x64x1024xf32, #tpu.memory_space<hbm>>
    %dma_start3A_77 = tpu.memref_squeeze %dma_start3A_76 : memref<1x64x1024xf32, #tpu.memory_space<hbm>> -> memref<64x1024xf32, #tpu.memory_space<hbm>>
    tpu.enqueue_dma source(%arg6 : memref<64x1024xf32, #tpu.memory_space<vmem>>) target(%dma_start3A_77 : memref<64x1024xf32, #tpu.memory_space<hbm>>) target_semaphore(%arg7 : memref<!tpu.dma_semaphore, #tpu.memory_space<semaphore_mem>>)
    %add3A_78 = arith.constant 3 : i32
    %add3A_79 = arith.addi %mul3A_54, %add3A_78 : i32
    %dma_start3A_80 = arith.constant 0 : i32
    %dma_start3A_81 = tpu.memref_slice %arg4[%add3A_79, %mul3A_52, %dma_start3A_80] : memref<64x256x1024xf32, #tpu.memory_space<hbm>> -> memref<1x64x1024xf32, #tpu.memory_space<hbm>>
    %dma_start3A_82 = tpu.memref_squeeze %dma_start3A_81 : memref<1x64x1024xf32, #tpu.memory_space<hbm>> -> memref<64x1024xf32, #tpu.memory_space<hbm>>
    %dma_start3A_83 = arith.constant 0 : i32
    %dma_start3A_84 = tpu.memref_slice %arg4[%add3A_79, %mul3A_52, %dma_start3A_83] : memref<64x256x1024xf32, #tpu.memory_space<hbm>> -> memref<1x64x1024xf32, #tpu.memory_space<hbm>>
    %dma_start3A_85 = tpu.memref_squeeze %dma_start3A_84 : memref<1x64x1024xf32, #tpu.memory_space<hbm>> -> memref<64x1024xf32, #tpu.memory_space<hbm>>
    tpu.enqueue_dma source(%arg6 : memref<64x1024xf32, #tpu.memory_space<vmem>>) target(%dma_start3A_85 : memref<64x1024xf32, #tpu.memory_space<hbm>>) target_semaphore(%arg7 : memref<!tpu.dma_semaphore, #tpu.memory_space<semaphore_mem>>)
    %add3A_86 = arith.constant 4 : i32
    %add3A_87 = arith.addi %mul3A_54, %add3A_86 : i32
    %dma_start3A_88 = arith.constant 0 : i32
    %dma_start3A_89 = tpu.memref_slice %arg4[%add3A_87, %mul3A_52, %dma_start3A_88] : memref<64x256x1024xf32, #tpu.memory_space<hbm>> -> memref<1x64x1024xf32, #tpu.memory_space<hbm>>
    %dma_start3A_90 = tpu.memref_squeeze %dma_start3A_89 : memref<1x64x1024xf32, #tpu.memory_space<hbm>> -> memref<64x1024xf32, #tpu.memory_space<hbm>>
    %dma_start3A_91 = arith.constant 0 : i32
    %dma_start3A_92 = tpu.memref_slice %arg4[%add3A_87, %mul3A_52, %dma_start3A_91] : memref<64x256x1024xf32, #tpu.memory_space<hbm>> -> memref<1x64x1024xf32, #tpu.memory_space<hbm>>
    %dma_start3A_93 = tpu.memref_squeeze %dma_start3A_92 : memref<1x64x1024xf32, #tpu.memory_space<hbm>> -> memref<64x1024xf32, #tpu.memory_space<hbm>>
    tpu.enqueue_dma source(%arg6 : memref<64x1024xf32, #tpu.memory_space<vmem>>) target(%dma_start3A_93 : memref<64x1024xf32, #tpu.memory_space<hbm>>) target_semaphore(%arg7 : memref<!tpu.dma_semaphore, #tpu.memory_space<semaphore_mem>>)
    %add3A_94 = arith.constant 5 : i32
    %add3A_95 = arith.addi %mul3A_54, %add3A_94 : i32
    %dma_start3A_96 = arith.constant 0 : i32
    %dma_start3A_97 = tpu.memref_slice %arg4[%add3A_95, %mul3A_52, %dma_start3A_96] : memref<64x256x1024xf32, #tpu.memory_space<hbm>> -> memref<1x64x1024xf32, #tpu.memory_space<hbm>>
    %dma_start3A_98 = tpu.memref_squeeze %dma_start3A_97 : memref<1x64x1024xf32, #tpu.memory_space<hbm>> -> memref<64x1024xf32, #tpu.memory_space<hbm>>
    %dma_start3A_99 = arith.constant 0 : i32
    %dma_start3A_100 = tpu.memref_slice %arg4[%add3A_95, %mul3A_52, %dma_start3A_99] : memref<64x256x1024xf32, #tpu.memory_space<hbm>> -> memref<1x64x1024xf32, #tpu.memory_space<hbm>>
    %dma_start3A_101 = tpu.memref_squeeze %dma_start3A_100 : memref<1x64x1024xf32, #tpu.memory_space<hbm>> -> memref<64x1024xf32, #tpu.memory_space<hbm>>
    tpu.enqueue_dma source(%arg6 : memref<64x1024xf32, #tpu.memory_space<vmem>>) target(%dma_start3A_101 : memref<64x1024xf32, #tpu.memory_space<hbm>>) target_semaphore(%arg7 : memref<!tpu.dma_semaphore, #tpu.memory_space<semaphore_mem>>)
    %add3A_102 = arith.constant 6 : i32
    %add3A_103 = arith.addi %mul3A_54, %add3A_102 : i32
    %dma_start3A_104 = arith.constant 0 : i32
    %dma_start3A_105 = tpu.memref_slice %arg4[%add3A_103, %mul3A_52, %dma_start3A_104] : memref<64x256x1024xf32, #tpu.memory_space<hbm>> -> memref<1x64x1024xf32, #tpu.memory_space<hbm>>
    %dma_start3A_106 = tpu.memref_squeeze %dma_start3A_105 : memref<1x64x1024xf32, #tpu.memory_space<hbm>> -> memref<64x1024xf32, #tpu.memory_space<hbm>>
    %dma_start3A_107 = arith.constant 0 : i32
    %dma_start3A_108 = tpu.memref_slice %arg4[%add3A_103, %mul3A_52, %dma_start3A_107] : memref<64x256x1024xf32, #tpu.memory_space<hbm>> -> memref<1x64x1024xf32, #tpu.memory_space<hbm>>
    %dma_start3A_109 = tpu.memref_squeeze %dma_start3A_108 : memref<1x64x1024xf32, #tpu.memory_space<hbm>> -> memref<64x1024xf32, #tpu.memory_space<hbm>>
    tpu.enqueue_dma source(%arg6 : memref<64x1024xf32, #tpu.memory_space<vmem>>) target(%dma_start3A_109 : memref<64x1024xf32, #tpu.memory_space<hbm>>) target_semaphore(%arg7 : memref<!tpu.dma_semaphore, #tpu.memory_space<semaphore_mem>>)
    %add3A_110 = arith.constant 7 : i32
    %add3A_111 = arith.addi %mul3A_54, %add3A_110 : i32
    %dma_start3A_112 = arith.constant 0 : i32
    %dma_start3A_113 = tpu.memref_slice %arg4[%add3A_111, %mul3A_52, %dma_start3A_112] : memref<64x256x1024xf32, #tpu.memory_space<hbm>> -> memref<1x64x1024xf32, #tpu.memory_space<hbm>>
    %dma_start3A_114 = tpu.memref_squeeze %dma_start3A_113 : memref<1x64x1024xf32, #tpu.memory_space<hbm>> -> memref<64x1024xf32, #tpu.memory_space<hbm>>
    %dma_start3A_115 = arith.constant 0 : i32
    %dma_start3A_116 = tpu.memref_slice %arg4[%add3A_111, %mul3A_52, %dma_start3A_115] : memref<64x256x1024xf32, #tpu.memory_space<hbm>> -> memref<1x64x1024xf32, #tpu.memory_space<hbm>>
    %dma_start3A_117 = tpu.memref_squeeze %dma_start3A_116 : memref<1x64x1024xf32, #tpu.memory_space<hbm>> -> memref<64x1024xf32, #tpu.memory_space<hbm>>
    tpu.enqueue_dma source(%arg6 : memref<64x1024xf32, #tpu.memory_space<vmem>>) target(%dma_start3A_117 : memref<64x1024xf32, #tpu.memory_space<hbm>>) target_semaphore(%arg7 : memref<!tpu.dma_semaphore, #tpu.memory_space<semaphore_mem>>)
    %add3A_118 = arith.constant 0 : i32
    %add3A_119 = arith.addi %mul3A_54, %add3A_118 : i32
    %dma_wait3A = arith.constant 0 : i32
    %dma_wait3A_120 = tpu.memref_slice %arg4[%add3A_119, %mul3A_52, %dma_wait3A] : memref<64x256x1024xf32, #tpu.memory_space<hbm>> -> memref<1x64x1024xf32, #tpu.memory_space<hbm>>
    %dma_wait3A_121 = tpu.memref_squeeze %dma_wait3A_120 : memref<1x64x1024xf32, #tpu.memory_space<hbm>> -> memref<64x1024xf32, #tpu.memory_space<hbm>>
    %dma_wait3A_122 = arith.constant 0 : i32
    %dma_wait3A_123 = tpu.memref_slice %arg4[%add3A_119, %mul3A_52, %dma_wait3A_122] : memref<64x256x1024xf32, #tpu.memory_space<hbm>> -> memref<1x64x1024xf32, #tpu.memory_space<hbm>>
    %dma_wait3A_124 = tpu.memref_squeeze %dma_wait3A_123 : memref<1x64x1024xf32, #tpu.memory_space<hbm>> -> memref<64x1024xf32, #tpu.memory_space<hbm>>
    tpu.wait_dma2 semaphore(%arg7 : memref<!tpu.dma_semaphore, #tpu.memory_space<semaphore_mem>>) src(%arg6 : memref<64x1024xf32, #tpu.memory_space<vmem>>) dst(%dma_wait3A_124 : memref<64x1024xf32, #tpu.memory_space<hbm>>)
    %add3A_125 = arith.constant 1 : i32
    %add3A_126 = arith.addi %mul3A_54, %add3A_125 : i32
    %dma_wait3A_127 = arith.constant 0 : i32
    %dma_wait3A_128 = tpu.memref_slice %arg4[%add3A_126, %mul3A_52, %dma_wait3A_127] : memref<64x256x1024xf32, #tpu.memory_space<hbm>> -> memref<1x64x1024xf32, #tpu.memory_space<hbm>>
    %dma_wait3A_129 = tpu.memref_squeeze %dma_wait3A_128 : memref<1x64x1024xf32, #tpu.memory_space<hbm>> -> memref<64x1024xf32, #tpu.memory_space<hbm>>
    %dma_wait3A_130 = arith.constant 0 : i32
    %dma_wait3A_131 = tpu.memref_slice %arg4[%add3A_126, %mul3A_52, %dma_wait3A_130] : memref<64x256x1024xf32, #tpu.memory_space<hbm>> -> memref<1x64x1024xf32, #tpu.memory_space<hbm>>
    %dma_wait3A_132 = tpu.memref_squeeze %dma_wait3A_131 : memref<1x64x1024xf32, #tpu.memory_space<hbm>> -> memref<64x1024xf32, #tpu.memory_space<hbm>>
    tpu.wait_dma2 semaphore(%arg7 : memref<!tpu.dma_semaphore, #tpu.memory_space<semaphore_mem>>) src(%arg6 : memref<64x1024xf32, #tpu.memory_space<vmem>>) dst(%dma_wait3A_132 : memref<64x1024xf32, #tpu.memory_space<hbm>>)
    %add3A_133 = arith.constant 2 : i32
    %add3A_134 = arith.addi %mul3A_54, %add3A_133 : i32
    %dma_wait3A_135 = arith.constant 0 : i32
    %dma_wait3A_136 = tpu.memref_slice %arg4[%add3A_134, %mul3A_52, %dma_wait3A_135] : memref<64x256x1024xf32, #tpu.memory_space<hbm>> -> memref<1x64x1024xf32, #tpu.memory_space<hbm>>
    %dma_wait3A_137 = tpu.memref_squeeze %dma_wait3A_136 : memref<1x64x1024xf32, #tpu.memory_space<hbm>> -> memref<64x1024xf32, #tpu.memory_space<hbm>>
    %dma_wait3A_138 = arith.constant 0 : i32
    %dma_wait3A_139 = tpu.memref_slice %arg4[%add3A_134, %mul3A_52, %dma_wait3A_138] : memref<64x256x1024xf32, #tpu.memory_space<hbm>> -> memref<1x64x1024xf32, #tpu.memory_space<hbm>>
    %dma_wait3A_140 = tpu.memref_squeeze %dma_wait3A_139 : memref<1x64x1024xf32, #tpu.memory_space<hbm>> -> memref<64x1024xf32, #tpu.memory_space<hbm>>
    tpu.wait_dma2 semaphore(%arg7 : memref<!tpu.dma_semaphore, #tpu.memory_space<semaphore_mem>>) src(%arg6 : memref<64x1024xf32, #tpu.memory_space<vmem>>) dst(%dma_wait3A_140 : memref<64x1024xf32, #tpu.memory_space<hbm>>)
    %add3A_141 = arith.constant 3 : i32
    %add3A_142 = arith.addi %mul3A_54, %add3A_141 : i32
    %dma_wait3A_143 = arith.constant 0 : i32
    %dma_wait3A_144 = tpu.memref_slice %arg4[%add3A_142, %mul3A_52, %dma_wait3A_143] : memref<64x256x1024xf32, #tpu.memory_space<hbm>> -> memref<1x64x1024xf32, #tpu.memory_space<hbm>>
    %dma_wait3A_145 = tpu.memref_squeeze %dma_wait3A_144 : memref<1x64x1024xf32, #tpu.memory_space<hbm>> -> memref<64x1024xf32, #tpu.memory_space<hbm>>
    %dma_wait3A_146 = arith.constant 0 : i32
    %dma_wait3A_147 = tpu.memref_slice %arg4[%add3A_142, %mul3A_52, %dma_wait3A_146] : memref<64x256x1024xf32, #tpu.memory_space<hbm>> -> memref<1x64x1024xf32, #tpu.memory_space<hbm>>
    %dma_wait3A_148 = tpu.memref_squeeze %dma_wait3A_147 : memref<1x64x1024xf32, #tpu.memory_space<hbm>> -> memref<64x1024xf32, #tpu.memory_space<hbm>>
    tpu.wait_dma2 semaphore(%arg7 : memref<!tpu.dma_semaphore, #tpu.memory_space<semaphore_mem>>) src(%arg6 : memref<64x1024xf32, #tpu.memory_space<vmem>>) dst(%dma_wait3A_148 : memref<64x1024xf32, #tpu.memory_space<hbm>>)
    %add3A_149 = arith.constant 4 : i32
    %add3A_150 = arith.addi %mul3A_54, %add3A_149 : i32
    %dma_wait3A_151 = arith.constant 0 : i32
    %dma_wait3A_152 = tpu.memref_slice %arg4[%add3A_150, %mul3A_52, %dma_wait3A_151] : memref<64x256x1024xf32, #tpu.memory_space<hbm>> -> memref<1x64x1024xf32, #tpu.memory_space<hbm>>
    %dma_wait3A_153 = tpu.memref_squeeze %dma_wait3A_152 : memref<1x64x1024xf32, #tpu.memory_space<hbm>> -> memref<64x1024xf32, #tpu.memory_space<hbm>>
    %dma_wait3A_154 = arith.constant 0 : i32
    %dma_wait3A_155 = tpu.memref_slice %arg4[%add3A_150, %mul3A_52, %dma_wait3A_154] : memref<64x256x1024xf32, #tpu.memory_space<hbm>> -> memref<1x64x1024xf32, #tpu.memory_space<hbm>>
    %dma_wait3A_156 = tpu.memref_squeeze %dma_wait3A_155 : memref<1x64x1024xf32, #tpu.memory_space<hbm>> -> memref<64x1024xf32, #tpu.memory_space<hbm>>
    tpu.wait_dma2 semaphore(%arg7 : memref<!tpu.dma_semaphore, #tpu.memory_space<semaphore_mem>>) src(%arg6 : memref<64x1024xf32, #tpu.memory_space<vmem>>) dst(%dma_wait3A_156 : memref<64x1024xf32, #tpu.memory_space<hbm>>)
    %add3A_157 = arith.constant 5 : i32
    %add3A_158 = arith.addi %mul3A_54, %add3A_157 : i32
    %dma_wait3A_159 = arith.constant 0 : i32
    %dma_wait3A_160 = tpu.memref_slice %arg4[%add3A_158, %mul3A_52, %dma_wait3A_159] : memref<64x256x1024xf32, #tpu.memory_space<hbm>> -> memref<1x64x1024xf32, #tpu.memory_space<hbm>>
    %dma_wait3A_161 = tpu.memref_squeeze %dma_wait3A_160 : memref<1x64x1024xf32, #tpu.memory_space<hbm>> -> memref<64x1024xf32, #tpu.memory_space<hbm>>
    %dma_wait3A_162 = arith.constant 0 : i32
    %dma_wait3A_163 = tpu.memref_slice %arg4[%add3A_158, %mul3A_52, %dma_wait3A_162] : memref<64x256x1024xf32, #tpu.memory_space<hbm>> -> memref<1x64x1024xf32, #tpu.memory_space<hbm>>
    %dma_wait3A_164 = tpu.memref_squeeze %dma_wait3A_163 : memref<1x64x1024xf32, #tpu.memory_space<hbm>> -> memref<64x1024xf32, #tpu.memory_space<hbm>>
    tpu.wait_dma2 semaphore(%arg7 : memref<!tpu.dma_semaphore, #tpu.memory_space<semaphore_mem>>) src(%arg6 : memref<64x1024xf32, #tpu.memory_space<vmem>>) dst(%dma_wait3A_164 : memref<64x1024xf32, #tpu.memory_space<hbm>>)
    %add3A_165 = arith.constant 6 : i32
    %add3A_166 = arith.addi %mul3A_54, %add3A_165 : i32
    %dma_wait3A_167 = arith.constant 0 : i32
    %dma_wait3A_168 = tpu.memref_slice %arg4[%add3A_166, %mul3A_52, %dma_wait3A_167] : memref<64x256x1024xf32, #tpu.memory_space<hbm>> -> memref<1x64x1024xf32, #tpu.memory_space<hbm>>
    %dma_wait3A_169 = tpu.memref_squeeze %dma_wait3A_168 : memref<1x64x1024xf32, #tpu.memory_space<hbm>> -> memref<64x1024xf32, #tpu.memory_space<hbm>>
    %dma_wait3A_170 = arith.constant 0 : i32
    %dma_wait3A_171 = tpu.memref_slice %arg4[%add3A_166, %mul3A_52, %dma_wait3A_170] : memref<64x256x1024xf32, #tpu.memory_space<hbm>> -> memref<1x64x1024xf32, #tpu.memory_space<hbm>>
    %dma_wait3A_172 = tpu.memref_squeeze %dma_wait3A_171 : memref<1x64x1024xf32, #tpu.memory_space<hbm>> -> memref<64x1024xf32, #tpu.memory_space<hbm>>
    tpu.wait_dma2 semaphore(%arg7 : memref<!tpu.dma_semaphore, #tpu.memory_space<semaphore_mem>>) src(%arg6 : memref<64x1024xf32, #tpu.memory_space<vmem>>) dst(%dma_wait3A_172 : memref<64x1024xf32, #tpu.memory_space<hbm>>)
    %add3A_173 = arith.constant 7 : i32
    %add3A_174 = arith.addi %mul3A_54, %add3A_173 : i32
    %dma_wait3A_175 = arith.constant 0 : i32
    %dma_wait3A_176 = tpu.memref_slice %arg4[%add3A_174, %mul3A_52, %dma_wait3A_175] : memref<64x256x1024xf32, #tpu.memory_space<hbm>> -> memref<1x64x1024xf32, #tpu.memory_space<hbm>>
    %dma_wait3A_177 = tpu.memref_squeeze %dma_wait3A_176 : memref<1x64x1024xf32, #tpu.memory_space<hbm>> -> memref<64x1024xf32, #tpu.memory_space<hbm>>
    %dma_wait3A_178 = arith.constant 0 : i32
    %dma_wait3A_179 = tpu.memref_slice %arg4[%add3A_174, %mul3A_52, %dma_wait3A_178] : memref<64x256x1024xf32, #tpu.memory_space<hbm>> -> memref<1x64x1024xf32, #tpu.memory_space<hbm>>
    %dma_wait3A_180 = tpu.memref_squeeze %dma_wait3A_179 : memref<1x64x1024xf32, #tpu.memory_space<hbm>> -> memref<64x1024xf32, #tpu.memory_space<hbm>>
    tpu.wait_dma2 semaphore(%arg7 : memref<!tpu.dma_semaphore, #tpu.memory_space<semaphore_mem>>) src(%arg6 : memref<64x1024xf32, #tpu.memory_space<vmem>>) dst(%dma_wait3A_180 : memref<64x1024xf32, #tpu.memory_space<hbm>>)
    return
  }
}

</mosaic_0001>

<sc_bundles>
// kernel: kernel.3.cloned.1.call-start
scs
__scs_entry_jumppad:
0x0: {  	(pc) =	sbr.rel $0x88, $3  }
0x1: {  	(tag) =	ssettag $0x0;
	lr =	simm.s32 $0x1  }
0x2: {  	[smem:$0x3F9F] =	sst lr;
	_ =	strace $0xD0000000  }
0x3: {  	_ = 	snop  }
0x4: {  	_ = 	snop  }
0x5: {  	_ = 	snop  }
0x6: {  	_ = 	snop  }
0x7: {  	_ = 	snop  }
__scs_overlays_trampoline_lowered:
0x8: {  	[smem:$0x3FAE] =	sst s0  }
0x9: {  	[smem:$0x3FAF] =	sst s1  }
0xa: {  	[smem:$0x3FB0] =	sst s2  }
0xb: {  	[smem:$0x3FB1] =	sst s3  }
0xc: {  	[smem:$0x3FB2] =	sst s4  }
0xd: {  	[smem:$0x3FB3] =	sst s5  }
0xe: {  	[smem:$0x3FB4] =	sst s6  }
0xf: {  	[smem:$0x3FB5] =	sst s7  }
0x10: {  	[smem:$0x3FB6] =	sst s8  }
0x11: {  	[smem:$0x3FB7] =	sst s9;
	s0 =	simm.s32 @!p0 $0x0  }
0x12: {  	s1 =	sld [smem:$0x3F9D];
	s0 =	simm.s32 @p0 $0x1  }
0x13: {  	[smem:$0x3FB8] =	sst s0;
	s0 =	simm.s32 @!p1 $0x0  }
0x14: {  	s2 =	sld [smem:$0x3F9C];
	s0 =	simm.s32 @p1 $0x1  }
0x15: {  	[smem:$0x3FB9] =	sst s0;
	s0 =	simm.s32 @!p2 $0x0  }
0x16: {  	s3 =	sld [smem:$0x3FDB];
	s0 =	simm.s32 @p2 $0x1  }
0x17: {  	s4 =	simm.s32 $0x1BF5;
	[smem:$0x3FBB] =	sst s0  }
0x18: {  	s0 =	sld [smem:$0x3F9E];
	_ =	swait.ge [sflag:s4], $0x0  }
0x19: {  	s7 =	sld [smem:$0x3F9F]  }
0x1a: {  	s8 =	sadd.s32 $0xFFFFE003, lr  }
0x1b: {  	s9 =	sadd.s32 $0xFFFFFEF7, lr;
	s5 =	simm.s32 $0xFFFFFFFF;
	p2 =	slt.u32 s8, $0xFFFFF086  }
0x1c: {  	p1 =	slt.u32 s9, $0xF7A;
	s5 =	simm.s32 @!p2 $0x0  }
0x1d: {  	s5 =	simm.s32 @p1 $0x1;
	p0 =	seq.s32 s7, s2  }
0x1e: {  	s7 =	smul.u32 @!p0 $0xF7A, s2;
	p2 =	seq.s32 @!p0 s5, $0x0  }
0x1f: {  	s9 =	smul.u32 $0xF7A, s1;
	s8 =	simm.s32 @!p0 $0x1BF5;
	p2 =	por !p2, p0  }
0x20: {  	[sflag:s8] =	ssyncset.s32 @!p0 $0xFFFFF086;
	s6 =	sadd.s32 @!p0 s3, s7;
	s7 =	simm.s32 @!p0 $0x108  }
0x21: {  	s3 =	sadd.s32 s3, s9;
	s6 =	sadd.s32 @!p0 $0x88, s6;
	s7 =	simm.s32 @p2 $0x1082  }
0x22: {  	[simem:s7], [sflag:s8] =	dma.local @!p0 [hbm:s6], $0xF7A  }
0x23: {  	s9 =	sor.u32 $0xD0000000, s2;
	s6 =	simm.s32 $0x108;
	_ =	swait.ge @!p0 [sflag:s8], $0x0  }
0x24: {  	s3 =	sadd.s32 $0x88, s3;
	s6 =	simm.s32 @!p1 $0x1082;
	[sflag:s4] =	ssyncset.s32 $0xFFFFF086  }
0x25: {  	[simem:s6], [sflag:s4] =	dma.local [hbm:s3], $0xF7A  }
0x26: {  	[smem:$0x3F9F] =	sst s1;
	(tag) =	ssettag s2;
	_ =	strace s9  }
0x27: {  	s1 =	sld [smem:$0x3FAF]  }
0x28: {  	s2 =	sld [smem:$0x3FB0]  }
0x29: {  	s4 =	sld [smem:$0x3FB2]  }
0x2a: {  	p0 =	seq.s32 s5, $0x0;
	s5 =	sld [smem:$0x3FB3]  }
0x2b: {  	s6 =	sld [smem:$0x3FB4]  }
0x2c: {  	s7 =	sld [smem:$0x3FB5]  }
0x2d: {  	s3 =	simm.s32 $0x108;
	s8 =	sld [smem:$0x3FB6]  }
0x2e: {  	s3 =	simm.s32 @!p0 $0x1082;
	s9 =	sld [smem:$0x3FB7]  }
0x2f: {  	lr =	sadd.s32 s0, s3;
	s0 =	sld [smem:$0x3FAE]  }
0x30: {  	s3 =	sld [smem:$0x3FB1]  }
0x31: {  	[smem:$0x3FBA] =	sst s10  }
0x32: {  	s10 =	sld [smem:$0x3FB8];
	_ =	sdelay $0x3  }
0x33: {  	p0 =	seq.s32 s10, $0x1;
	s10 =	sld [smem:$0x3FBA];
	_ =	sdelay $0x3  }
0x34: {  	[smem:$0x3FBA] =	sst s10  }
0x35: {  	s10 =	sld [smem:$0x3FB9];
	_ =	sdelay $0x3  }
0x36: {  	p1 =	seq.s32 s10, $0x1;
	s10 =	sld [smem:$0x3FBA];
	_ =	sdelay $0x3  }
0x37: {  	[smem:$0x3FBA] =	sst s10  }
0x38: {  	s10 =	sld [smem:$0x3FBB]  }
0x39: {  	_ = 	snop;
	(pc) =	sbr.ind lr, $3  }
0x3a: {  	_ = 	snop  }
0x3b: {  	_ = 	snop  }
0x3c: {  	p2 =	seq.s32 s10, $0x1;
	s10 =	sld [smem:$0x3FBA]  }
0x3d: {  	_ =	shalt  }
0x3e: {  	_ =	shalt  }
0x3f: {  	_ =	shalt  }
0x40: {  	_ =	shalt  }
0x41: {  	_ =	shalt  }
0x42: {  	_ =	shalt  }
0x43: {  	_ =	shalt  }
0x44: {  	_ =	shalt  }
0x45: {  	_ =	shalt  }
0x46: {  	_ =	shalt  }
0x47: {  	_ =	shalt  }
0x48: {  	_ =	shalt  }
0x49: {  	_ =	shalt  }
0x4a: {  	_ =	shalt  }
0x4b: {  	_ =	shalt  }
0x4c: {  	_ =	shalt  }
0x4d: {  	_ =	shalt  }
0x4e: {  	_ =	shalt  }
0x4f: {  	_ =	shalt  }
0x50: {  	_ =	shalt  }
0x51: {  	_ =	shalt  }
0x52: {  	_ =	shalt  }
0x53: {  	_ =	shalt  }
0x54: {  	_ =	shalt  }
0x55: {  	_ =	shalt  }
0x56: {  	_ =	shalt  }
0x57: {  	_ =	shalt  }
0x58: {  	_ =	shalt  }
0x59: {  	_ =	shalt  }
0x5a: {  	_ =	shalt  }
0x5b: {  	_ =	shalt  }
0x5c: {  	_ =	shalt  }
0x5d: {  	_ =	shalt  }
0x5e: {  	_ =	shalt  }
0x5f: {  	_ =	shalt  }
0x60: {  	_ =	shalt  }
0x61: {  	_ =	shalt  }
0x62: {  	_ =	shalt  }
0x63: {  	_ =	shalt  }
0x64: {  	_ =	shalt  }
0x65: {  	_ =	shalt  }
0x66: {  	_ =	shalt  }
0x67: {  	_ =	shalt  }
0x68: {  	_ =	shalt  }
0x69: {  	_ =	shalt  }
0x6a: {  	_ =	shalt  }
0x6b: {  	_ =	shalt  }
0x6c: {  	_ =	shalt  }
0x6d: {  	_ =	shalt  }
0x6e: {  	_ =	shalt  }
0x6f: {  	_ =	shalt  }
0x70: {  	_ =	shalt  }
0x71: {  	_ =	shalt  }
0x72: {  	_ =	shalt  }
0x73: {  	_ =	shalt  }
0x74: {  	_ =	shalt  }
0x75: {  	_ =	shalt  }
0x76: {  	_ =	shalt  }
0x77: {  	_ =	shalt  }
0x78: {  	_ =	shalt  }
0x79: {  	_ =	shalt  }
0x7a: {  	_ =	shalt  }
0x7b: {  	_ =	shalt  }
0x7c: {  	_ =	shalt  }
0x7d: {  	_ =	shalt  }
0x7e: {  	_ =	shalt  }
0x7f: {  	_ =	shalt  }
0x80: {  	_ =	shalt  }
0x81: {  	_ =	shalt  }
0x82: {  	_ =	shalt  }
0x83: {  	_ =	shalt  }
0x84: {  	_ =	shalt  }
0x85: {  	_ =	shalt  }
0x86: {  	_ =	shalt  }
0x87: {  	_ =	shalt  }
.Lfunc_end0:
.L_simem_size_0:
called_computation_lowered:
.L_overlay_start_0:
0x88: {  	s2 =	sld [smem:$0x3FD9]  }
0x89: {  	s3 =	sld [smem:$0x3FFE];
	_ =	sdelay $0x1  }
0x8a: {  	s1 =	srdreg.scid  }
0x8b: {  	s0 =	sand.u32 $0x1, s1  }
0x8c: {  	s17 =	sshll.u32 s0, $0xA;
	s2 =	sadd.s32 s3, s2  }
0x8d: {  	s2 =	sadd.s32 s2, s17  }
0x8e: {  	[smem:$0x3FC6] =	sst s2  }
0x8f: {  	_ = 	snop  }
0x90: {  	s2 =	sld [smem:$0x3FD0];
	(tm) =	ssettm $0x1  }
0x91: {  	s18 =	sld [smem:$0x3FFB];
	_ =	sdelay $0x3  }
0x92: {  	_ =	strace s18  }
0x93: {  	s3 =	sld [smem:$0x3FFC];
	_ =	sdelay $0x3  }
0x94: {  	_ =	strace s3  }
0x95: {  	s3 =	sld [smem:$0x3FFD];
	_ =	sdelay $0x3  }
0x96: {  	_ =	strace s3  }
0x97: {  	_ =	strace $0x8FFFFFFF  }
0x98: {  	s19 =	sld [smem:$0x3FDB];
	_ =	sdelay $0x1  }
0x99: {  	s4 =	simm.s32 $_scs_section_size  }
0x9a: {  	s5 =	simm.s32 $_size__tile_overlayer_lowered;
	s6 =	simm.s32 $_tile_overlayer_lowered  }
0x9b: {  	s22 =	simm.s32 $0x1BFF;
	s21 =	sshll.u32 s6, $0x1;
	s3 =	sadd.s32 s4, s19  }
0x9c: {  	s7 =	simm.s32 $0x0;
	s20 =	sshll.u32 s5, $0x1;
	s5 =	sadd.s32 s21, s3  }
0x9d: {  	[timem:s7], [sflag:s22] =	dma.local [hbm:s5], s20  }
0x9e: {  	_ =	swait.ge [sflag:s22], s20  }
0x9f: {  	s4 =	ssub.s32 $0x0, s20;
	[sflag:s22] =	ssyncset.done $0x0  }
0xa0: {  	[sflag:s22] =	ssyncadd.s32 s4;
	_ =	sdelay $0x1  }
0xa1: {  	s23 =	simm.s32 $0x1B8B  }
0xa2: {  	_ =	swait.ge [sflag:s23], $0x1  }
0xa3: {  	[sflag:s23] =	ssyncset.done $0x0  }
0xa4: {  	s25 =	simm.s32 $0x1B8E;
	s24 =	sld [smem:$0x3FFE];
	[sflag:s23] =	ssyncadd.s32 $0xFFFFFFFF  }
0xa5: {  	s26 =	simm.s32 $execute0_lowered;
	[smem:$0x3FD2] =	sst s25  }
0xa6: {  	s5 =	sshll.u32 s26, $0x1;
	_ =	strace $0x80000046;
	[dreg:$0x1] =	wrdreg $0xFFFFFFFF  }
0xa7: {  	s28 =	simm.s32 $_size_execute0_lowered;
	s3 =	sadd.s32 s3, s5;
	[dreg:$0x0] =	wrdreg $0x0  }
0xa8: {  	s5 =	sshll.u32 s28, $0x1;
	[dreg:$0x2] =	wrdreg s3  }
0xa9: {  	[dreg:$0x3] =	wrdreg s5  }
0xaa: {  	[dreg:$0x4] =	wrdreg $0xC0  }
0xab: {  	_ =	task [dreg:s7], $0x5FFFF  }
0xac: {  	[dreg:$0x1] =	wrdreg $0xFFFFFFFF  }
0xad: {  	[dreg:$0x0] =	wrdreg $0x60  }
0xae: {  	[dreg:$0x2] =	wrdreg s2  }
0xaf: {  	[dreg:$0x3] =	wrdreg s24  }
0xb0: {  	[dreg:$0x4] =	wrdreg $0x9  }
0xb1: {  	_ =	task.clear_ibuf [dreg:s7], $0x5FFFF;
	_ =	strace $0x90000046  }
0xb2: {  	s29 =	simm.s32 $0x9;
	_ =	strace $0x80000048  }
0xb3: {  	_ =	swait.ge [sflag:s29], $0x1  }
0xb4: {  	[sflag:s29] =	ssyncadd.s32 $0xFFFFFFFF  }
0xb5: {  	_ =	strace $0x90000048  }
0xb6: {  	_ =	sfence  }
0xb7: {  	s30 =	sld [smem:$0x0];
	_ =	sdelay $0x2  }
0xb8: {  	s31 =	sshll.u32 s1, $0xD;
	s1 =	sshrl.u32 s1, $0x2  }
0xb9: {  	s3 =	sand.u32 $0x4000, s31;
	s1 =	sadd.s32 s1, s30  }
0xba: {  	s0 =	sor.u32 s3, s0;
	s1 =	sshll.u32 s1, $0x11  }
0xbb: {  	s0 =	sor.u32 s1, s0  }
0xbc: {  	s0 =	sadd.s32 $0x8F2B, s0  }
0xbd: {  	[sflag:s0] =	ssyncadd.remote.s32 $0x1  }
0xbe: {  	_ =	sfence.sel $0xFFFF  }
0xbf: {  	[dreg:$0x0] =	wrdreg $0xFFFFFFFF;
	(pc) =	sbr.abs _section_cstart, $3  }
0xc0: {  	[dreg:$0x1] =	wrdreg $0xFFFFFFFF  }
0xc1: {  	_ =	task.clear_ibuf [dreg:s7], $0x2FFFF;
	_ =	strace $0x9FFFFFFF  }
0xc2: {  	(tm) =	ssettm $0x7FFFFFFF  }
0xc3: {  	_ =	shalt  }
tec
execute0_lowered:
.L_overlay_start_1:
0x0: {  	(tag) =	ssettag $0x1  }
0x1: {  	s3 =	rddreg [dreg:$0x0]  }
0x2: {  	s4 =	rddreg [dreg:$0x1]  }
0x3: {  	s0 =	rddreg [dreg:$0x2]  }
0x4: {  	s2 =	simm.s32 $0x0;
	s1 =	stileid.u32;
	s6 =	srdreg.scid  }
0x5: {  	s15 =	simm.s32 $0x800;
	s16 =	simm.s32 $0x1;
	s17 =	simm.s32 $0x0  }
0x6: {  	[smem:$0x7FF] =	sst s2;
	s5 =	sshrl.u32 s1, $0x3;
	s14 =	sand.u32 $0x1, s6  }
0x7: {  	s8 =	sshll.u32 s1, $0x12;
	_ =	strace $0x80000047;
	s7 =	sshll.u32 s5, $0x8  }
0x8: {  	s6 =	sshll.u32 s14, $0xE;
	s5 =	sshll.u32 s5, $0xD;
	s29 =	sand.u32 $0x1C0000, s8  }
0x9: {  	s30 =	ssub.s32 $0x2, s14;
	p0 =	sne.s32 s14, $0x0;
	s14 =	simm.s32 $0x2  }
0xa: {  	s5 =	sor.u32 s6, s5;
	s9 =	sadd.s32 s7, s4;
	s31 =	sshrl.u32 s30, $0x1  }
.Ltmp0:
0xb: {  	s3 =	sadd.s32 s3, s7;
	s5 =	sor.u32 s29, s5;
	(pc) =	sbr.rel .LBB2_1-.Ltmp0, $4  }
0xc: {  	s13 =	ssub.s32 s30, s31;
	s12 =	sadd.s32 s5, s4;
	s4 =	sadd.s32 $0x400, s9  }
0xd: {  	s13 =	smax.u32 s13, $0x1;
	s5 =	sadd.s32 $0x600, s12;
	s6 =	sadd.s32 $0x8600, s12  }
0xe: {  	s7 =	sadd.s32 $0x10600, s12;
	s8 =	sadd.s32 $0x18600, s12;
	s9 =	sadd.s32 $0x20600, s12  }
0xf: {  	s10 =	sadd.s32 $0x28600, s12;
	s11 =	sadd.s32 $0x30600, s12;
	s12 =	sadd.s32 $0x38600, s12  }
.LBB2_6:
0x10: {  	[hbm4b:s5+s2] =	stream.linear.scatter [tilespmem:s15], [sflag:$0x1], $0x10000, $0x38;
	[tilespmem:$0x10800] =	vst v63  }
0x11: {  	_ = 	snop  }
0x12: {  	[hbm4b:s6+s2] =	stream.linear.scatter [tilespmem:s15], [sflag:$0x1], $0x10000, $0x38;
	[tilespmem:$0x10800] =	vst v63  }
0x13: {  	_ = 	snop  }
0x14: {  	[hbm4b:s7+s2] =	stream.linear.scatter [tilespmem:s15], [sflag:$0x1], $0x10000, $0x38;
	[tilespmem:$0x10800] =	vst v63  }
0x15: {  	_ = 	snop  }
0x16: {  	[hbm4b:s8+s2] =	stream.linear.scatter [tilespmem:s15], [sflag:$0x1], $0x10000, $0x38;
	[tilespmem:$0x10800] =	vst v63  }
0x17: {  	_ = 	snop  }
0x18: {  	[hbm4b:s9+s2] =	stream.linear.scatter [tilespmem:s15], [sflag:$0x1], $0x10000, $0x38;
	[tilespmem:$0x10800] =	vst v63  }
0x19: {  	_ = 	snop  }
0x1a: {  	[hbm4b:s10+s2] =	stream.linear.scatter [tilespmem:s15], [sflag:$0x1], $0x10000, $0x38;
	[tilespmem:$0x10800] =	vst v63  }
0x1b: {  	_ = 	snop  }
0x1c: {  	[hbm4b:s11+s2] =	stream.linear.scatter [tilespmem:s15], [sflag:$0x1], $0x10000, $0x38;
	[tilespmem:$0x10800] =	vst v63  }
0x1d: {  	_ = 	snop  }
0x1e: {  	[hbm4b:s12+s2] =	stream.linear.scatter [tilespmem:s15], [sflag:$0x1], $0x10000, $0x38;
	[tilespmem:$0x10800] =	vst v63  }
0x1f: {  	_ =	swait.ge [sflag:s16], $0x10000  }
0x20: {  	[sflag:s16] =	ssyncset.done $0x0  }
0x21: {  	[sflag:s16] =	ssyncadd.s32 $0xFFFF0000  }
0x22: {  	_ =	swait.ge [sflag:s16], $0x10000  }
0x23: {  	[sflag:s16] =	ssyncset.done $0x0  }
0x24: {  	[sflag:s16] =	ssyncadd.s32 $0xFFFF0000  }
0x25: {  	_ =	swait.ge [sflag:s16], $0x10000  }
0x26: {  	[sflag:s16] =	ssyncset.done $0x0  }
0x27: {  	[sflag:s16] =	ssyncadd.s32 $0xFFFF0000  }
0x28: {  	_ =	swait.ge [sflag:s16], $0x10000  }
0x29: {  	[sflag:s16] =	ssyncset.done $0x0  }
0x2a: {  	[sflag:s16] =	ssyncadd.s32 $0xFFFF0000  }
0x2b: {  	_ =	swait.ge [sflag:s16], $0x10000  }
0x2c: {  	[sflag:s16] =	ssyncset.done $0x0  }
0x2d: {  	[sflag:s16] =	ssyncadd.s32 $0xFFFF0000  }
0x2e: {  	_ =	swait.ge [sflag:s16], $0x10000  }
0x2f: {  	[sflag:s16] =	ssyncset.done $0x0  }
0x30: {  	s17 =	sadd.s32 $0x1, s17;
	[sflag:s16] =	ssyncadd.s32 $0xFFFF0000  }
0x31: {  	p1 =	sne.s32 s17, s13;
	_ =	swait.ge [sflag:s16], $0x10000  }
.Ltmp1:
0x32: {  	[sflag:s16] =	ssyncset.done $0x0;
	(pc) =	sbr.rel @!p1 .LBB2_7-.Ltmp1, $4  }
0x33: {  	[sflag:s16] =	ssyncadd.s32 $0xFFFF0000  }
0x34: {  	_ =	swait.ge [sflag:s16], $0x10000  }
0x35: {  	[sflag:s16] =	ssyncset.done $0x0  }
0x36: {  	[sflag:s16] =	ssyncadd.s32 $0xFFFF0000  }
.LBB2_1:
.Ltmp2:
0x37: {  	(pc) =	sbr.rel @p0 .LBB2_4-.Ltmp2, $2  }
0x38: {  	_ =	sdelay $0x2  }
0x39: {  	s18 =	simm.s32 $0x0  }
0x3a: {  	[tilespmem:s18], [sflag:$0x2] =	stream.linear.gather [hbm4b:s4+s18], $0x800, $0x38;
	[tilespmem:$0x10800] =	vst v63  }
0x3b: {  	_ =	swait.ge [sflag:s14], $0x800  }
0x3c: {  	[sflag:s14] =	ssyncset.done $0x0  }
0x3d: {  	s19 =	simm.s32 $0x0;
	s20 =	simm.s32 $0x0;
	[sflag:s14] =	ssyncadd.s32 $0xFFFFF800  }
.LBB2_3:
0x3e: {  	s21 =	sshra.s32 s20, $0x2  }
0x3f: {  	v0 =	vld [tilespmem:s21+$0x0]  }
0x40: {  	v1 =	vld [tilespmem:s21+$0x10];
	_ =	sdelay $0x1  }
0x41: {  	s30 =	sand.u32 $0xE000, s19;
	s22 =	sand.u32 $0x380, s20  }
0x42: {  	s21 =	sor.u32 s22, s30  }
0x43: {  	[tilespmem:s21+$0x800] =	vst v0  }
0x44: {  	[tilespmem:s21+$0x810] =	vst v1  }
0x45: {  	[tilespmem:s21+$0x820] =	vst v0  }
0x46: {  	[tilespmem:s21+$0x830] =	vst v1  }
0x47: {  	[tilespmem:s21+$0x840] =	vst v0  }
0x48: {  	[tilespmem:s21+$0x850] =	vst v1  }
0x49: {  	[tilespmem:s21+$0x860] =	vst v0  }
0x4a: {  	[tilespmem:s21+$0x870] =	vst v1  }
0x4b: {  	[tilespmem:s21+$0xC00] =	vst v0  }
0x4c: {  	[tilespmem:s21+$0xC10] =	vst v1  }
0x4d: {  	[tilespmem:s21+$0xC20] =	vst v0  }
0x4e: {  	[tilespmem:s21+$0xC30] =	vst v1  }
0x4f: {  	[tilespmem:s21+$0xC40] =	vst v0  }
0x50: {  	[tilespmem:s21+$0xC50] =	vst v1  }
0x51: {  	[tilespmem:s21+$0xC60] =	vst v0  }
0x52: {  	[tilespmem:s21+$0xC70] =	vst v1  }
0x53: {  	[tilespmem:s21+$0x1000] =	vst v0  }
0x54: {  	[tilespmem:s21+$0x1010] =	vst v1  }
0x55: {  	[tilespmem:s21+$0x1020] =	vst v0  }
0x56: {  	[tilespmem:s21+$0x1030] =	vst v1  }
0x57: {  	[tilespmem:s21+$0x1040] =	vst v0  }
0x58: {  	[tilespmem:s21+$0x1050] =	vst v1  }
0x59: {  	[tilespmem:s21+$0x1060] =	vst v0  }
0x5a: {  	[tilespmem:s21+$0x1070] =	vst v1  }
0x5b: {  	[tilespmem:s21+$0x1400] =	vst v0  }
0x5c: {  	[tilespmem:s21+$0x1410] =	vst v1  }
0x5d: {  	[tilespmem:s21+$0x1420] =	vst v0  }
0x5e: {  	[tilespmem:s21+$0x1430] =	vst v1  }
0x5f: {  	[tilespmem:s21+$0x1440] =	vst v0  }
0x60: {  	[tilespmem:s21+$0x1450] =	vst v1  }
0x61: {  	[tilespmem:s21+$0x1460] =	vst v0  }
0x62: {  	[tilespmem:s21+$0x1470] =	vst v1  }
0x63: {  	[tilespmem:s21+$0x1800] =	vst v0  }
0x64: {  	[tilespmem:s21+$0x1810] =	vst v1  }
0x65: {  	[tilespmem:s21+$0x1820] =	vst v0  }
0x66: {  	[tilespmem:s21+$0x1830] =	vst v1  }
0x67: {  	[tilespmem:s21+$0x1840] =	vst v0  }
0x68: {  	[tilespmem:s21+$0x1850] =	vst v1  }
0x69: {  	[tilespmem:s21+$0x1860] =	vst v0  }
0x6a: {  	[tilespmem:s21+$0x1870] =	vst v1  }
0x6b: {  	[tilespmem:s21+$0x1C00] =	vst v0  }
0x6c: {  	[tilespmem:s21+$0x1C10] =	vst v1  }
0x6d: {  	[tilespmem:s21+$0x1C20] =	vst v0  }
0x6e: {  	[tilespmem:s21+$0x1C30] =	vst v1  }
0x6f: {  	[tilespmem:s21+$0x1C40] =	vst v0  }
0x70: {  	[tilespmem:s21+$0x1C50] =	vst v1  }
0x71: {  	[tilespmem:s21+$0x1C60] =	vst v0  }
0x72: {  	[tilespmem:s21+$0x1C70] =	vst v1  }
0x73: {  	[tilespmem:s21+$0x2000] =	vst v0  }
0x74: {  	[tilespmem:s21+$0x2010] =	vst v1  }
0x75: {  	[tilespmem:s21+$0x2020] =	vst v0  }
0x76: {  	[tilespmem:s21+$0x2030] =	vst v1  }
0x77: {  	s31 =	sand.u32 $0x7, s18;
	[tilespmem:s21+$0x2040] =	vst v0  }
0x78: {  	s22 =	sshll.u32 s31, $0x7;
	[tilespmem:s21+$0x2050] =	vst v1  }
0x79: {  	s22 =	sadd.s32 s22, s19;
	[tilespmem:s21+$0x2060] =	vst v0  }
0x7a: {  	s23 =	sor.u32 $0x1C00, s22;
	[tilespmem:s21+$0x2070] =	vst v1  }
0x7b: {  	s24 =	sor.u32 $0x1C10, s22;
	[tilespmem:s23+$0x800] =	vst v0  }
0x7c: {  	s25 =	sor.u32 $0x1C20, s22;
	[tilespmem:s24+$0x800] =	vst v1  }
0x7d: {  	p1 =	seq.s32 s20, $0x1F80;
	s26 =	sor.u32 $0x1C30, s22;
	[tilespmem:s25+$0x800] =	vst v0  }
.Ltmp3:
0x7e: {  	s28 =	sor.u32 $0x1C40, s22;
	[tilespmem:s26+$0x800] =	vst v1;
	(pc) =	sbr.rel @!p1 .LBB2_3-.Ltmp3, $4  }
0x7f: {  	s29 =	sor.u32 $0x1C50, s22;
	[tilespmem:s28+$0x800] =	vst v0  }
0x80: {  	s30 =	sor.u32 $0x1C60, s22;
	[tilespmem:s29+$0x800] =	vst v1  }
0x81: {  	s31 =	sor.u32 $0x1C70, s22;
	[tilespmem:s30+$0x800] =	vst v0  }
0x82: {  	s18 =	sadd.s32 $0x1, s18;
	s20 =	sadd.s32 $0x80, s20;
	s19 =	sadd.s32 $0x400, s19;
	[tilespmem:s31+$0x800] =	vst v1  }
.Ltmp4:
0x83: {  	_ = 	snop;
	(pc) =	sbr.rel .LBB2_6-.Ltmp4, $1  }
0x84: {  	_ =	sdelay $0x3  }
.LBB2_4:
0x85: {  	[tilespmem:s18], [sflag:$0x2] =	stream.linear.gather [hbm4b:s3+s18], $0x800, $0x38;
	[tilespmem:$0x10800] =	vst v63  }
0x86: {  	_ =	swait.ge [sflag:s14], $0x800  }
0x87: {  	[sflag:s14] =	ssyncset.done $0x0  }
0x88: {  	s19 =	simm.s32 $0x0;
	s20 =	simm.s32 $0x0;
	[sflag:s14] =	ssyncadd.s32 $0xFFFFF800  }
.LBB2_5:
0x89: {  	s21 =	sshra.s32 s20, $0x2  }
0x8a: {  	v0 =	vld [tilespmem:s21+$0x0];
	_ =	sdelay $0x4  }
0x8b: {  	s22 =	sand.u32 $0xE000, s19;
	s23 =	sand.u32 $0x380, s20;
	v1 =	vbroadcast v0, $0x0  }
0x8c: {  	s30 =	sor.u32 s23, s22  }
0x8d: {  	v2 =	vld [tilespmem:s21+$0x10];
	v3 =	vbroadcast v0, $0x1;
	[tilespmem:s30+$0x800] =	vst v1  }
0x8e: {  	[tilespmem:s30+$0x810] =	vst v1  }
0x8f: {  	v35 =	vbroadcast v0, $0x2;
	[tilespmem:s30+$0x820] =	vst v3  }
0x90: {  	[tilespmem:s30+$0x830] =	vst v3  }
0x91: {  	v36 =	vbroadcast v0, $0x3;
	[tilespmem:s30+$0x840] =	vst v35  }
0x92: {  	[tilespmem:s30+$0x850] =	vst v35  }
0x93: {  	v37 =	vbroadcast v0, $0x4;
	[tilespmem:s30+$0x860] =	vst v36  }
0x94: {  	[tilespmem:s30+$0x870] =	vst v36  }
0x95: {  	v38 =	vbroadcast v0, $0x5;
	[tilespmem:s30+$0xC00] =	vst v37  }
0x96: {  	[tilespmem:s30+$0xC10] =	vst v37  }
0x97: {  	v39 =	vbroadcast v0, $0x6;
	[tilespmem:s30+$0xC20] =	vst v38  }
0x98: {  	[tilespmem:s30+$0xC30] =	vst v38  }
0x99: {  	v40 =	vbroadcast v0, $0x7;
	[tilespmem:s30+$0xC40] =	vst v39  }
0x9a: {  	[tilespmem:s30+$0xC50] =	vst v39  }
0x9b: {  	v41 =	vbroadcast v0, $0x8;
	[tilespmem:s30+$0xC60] =	vst v40  }
0x9c: {  	[tilespmem:s30+$0xC70] =	vst v40  }
0x9d: {  	v42 =	vbroadcast v0, $0x9;
	[tilespmem:s30+$0x1000] =	vst v41  }
0x9e: {  	[tilespmem:s30+$0x1010] =	vst v41  }
0x9f: {  	v43 =	vbroadcast v0, $0xA;
	[tilespmem:s30+$0x1020] =	vst v42  }
0xa0: {  	[tilespmem:s30+$0x1030] =	vst v42  }
0xa1: {  	v44 =	vbroadcast v0, $0xB;
	[tilespmem:s30+$0x1040] =	vst v43  }
0xa2: {  	[tilespmem:s30+$0x1050] =	vst v43  }
0xa3: {  	v45 =	vbroadcast v0, $0xC;
	[tilespmem:s30+$0x1060] =	vst v44  }
0xa4: {  	[tilespmem:s30+$0x1070] =	vst v44  }
0xa5: {  	v46 =	vbroadcast v0, $0xD;
	[tilespmem:s30+$0x1400] =	vst v45  }
0xa6: {  	[tilespmem:s30+$0x1410] =	vst v45  }
0xa7: {  	v47 =	vbroadcast v0, $0xE;
	[tilespmem:s30+$0x1420] =	vst v46  }
0xa8: {  	[tilespmem:s30+$0x1430] =	vst v46  }
0xa9: {  	v0 =	vbroadcast v0, $0xF;
	[tilespmem:s30+$0x1440] =	vst v47  }
0xaa: {  	[tilespmem:s30+$0x1450] =	vst v47  }
0xab: {  	v48 =	vbroadcast v2, $0x0;
	[tilespmem:s30+$0x1460] =	vst v0  }
0xac: {  	[tilespmem:s30+$0x1470] =	vst v0  }
0xad: {  	v49 =	vbroadcast v2, $0x1;
	[tilespmem:s30+$0x1800] =	vst v48  }
0xae: {  	[tilespmem:s30+$0x1810] =	vst v48  }
0xaf: {  	v50 =	vbroadcast v2, $0x2;
	[tilespmem:s30+$0x1820] =	vst v49  }
0xb0: {  	[tilespmem:s30+$0x1830] =	vst v49  }
0xb1: {  	v51 =	vbroadcast v2, $0x3;
	[tilespmem:s30+$0x1840] =	vst v50  }
0xb2: {  	[tilespmem:s30+$0x1850] =	vst v50  }
0xb3: {  	v52 =	vbroadcast v2, $0x4;
	[tilespmem:s30+$0x1860] =	vst v51  }
0xb4: {  	[tilespmem:s30+$0x1870] =	vst v51  }
0xb5: {  	v53 =	vbroadcast v2, $0x5;
	[tilespmem:s30+$0x1C00] =	vst v52  }
0xb6: {  	[tilespmem:s30+$0x1C10] =	vst v52  }
0xb7: {  	v54 =	vbroadcast v2, $0x6;
	[tilespmem:s30+$0x1C20] =	vst v53  }
0xb8: {  	[tilespmem:s30+$0x1C30] =	vst v53  }
0xb9: {  	v55 =	vbroadcast v2, $0x7;
	[tilespmem:s30+$0x1C40] =	vst v54  }
0xba: {  	[tilespmem:s30+$0x1C50] =	vst v54  }
0xbb: {  	v56 =	vbroadcast v2, $0x8;
	[tilespmem:s30+$0x1C60] =	vst v55  }
0xbc: {  	[tilespmem:s30+$0x1C70] =	vst v55  }
0xbd: {  	v57 =	vbroadcast v2, $0x9;
	[tilespmem:s30+$0x2000] =	vst v56  }
0xbe: {  	[tilespmem:s30+$0x2010] =	vst v56  }
0xbf: {  	v58 =	vbroadcast v2, $0xA;
	[tilespmem:s30+$0x2020] =	vst v57  }
0xc0: {  	[tilespmem:s30+$0x2030] =	vst v57  }
0xc1: {  	s31 =	sand.u32 $0x7, s18;
	v59 =	vbroadcast v2, $0xB;
	[tilespmem:s30+$0x2040] =	vst v58  }
0xc2: {  	s22 =	sshll.u32 s31, $0x7;
	[tilespmem:s30+$0x2050] =	vst v58  }
0xc3: {  	s22 =	sadd.s32 s22, s19;
	v60 =	vbroadcast v2, $0xC;
	[tilespmem:s30+$0x2060] =	vst v59  }
0xc4: {  	s23 =	sor.u32 $0x1C00, s22;
	[tilespmem:s30+$0x2070] =	vst v59  }
0xc5: {  	s24 =	sor.u32 $0x1C10, s22;
	v61 =	vbroadcast v2, $0xD;
	[tilespmem:s23+$0x800] =	vst v60  }
0xc6: {  	s25 =	sor.u32 $0x1C20, s22;
	[tilespmem:s24+$0x800] =	vst v60  }
0xc7: {  	p1 =	sne.s32 s20, $0x1F80;
	s26 =	sor.u32 $0x1C30, s22;
	v62 =	vbroadcast v2, $0xE;
	[tilespmem:s25+$0x800] =	vst v61  }
.Ltmp5:
0xc8: {  	s28 =	sor.u32 $0x1C40, s22;
	[tilespmem:s26+$0x800] =	vst v61;
	(pc) =	sbr.rel @p1 .LBB2_5-.Ltmp5, $4  }
0xc9: {  	s29 =	sor.u32 $0x1C50, s22;
	v63 =	vbroadcast v2, $0xF;
	[tilespmem:s28+$0x800] =	vst v62  }
0xca: {  	s30 =	sor.u32 $0x1C60, s22;
	[tilespmem:s29+$0x800] =	vst v62  }
0xcb: {  	s31 =	sor.u32 $0x1C70, s22;
	[tilespmem:s30+$0x800] =	vst v63  }
0xcc: {  	s18 =	sadd.s32 $0x1, s18;
	s20 =	sadd.s32 $0x80, s20;
	s19 =	sadd.s32 $0x400, s19;
	[tilespmem:s31+$0x800] =	vst v63  }
.Ltmp6:
0xcd: {  	_ = 	snop;
	(pc) =	sbr.rel .LBB2_6-.Ltmp6, $1  }
0xce: {  	_ =	sdelay $0x3  }
.LBB2_7:
0xcf: {  	_ =	sfence.sel $0x180000  }
0xd0: {  	[bflag:$0x0] =	sbarrier.arrive $0xFFFF  }
0xd1: {  	p0 =	sne.s32 s1, $0x0;
	_ =	strace $0x90000047  }
0xd2: {  	s0 =	sadd.s32 @!p0 $0x100000, s0;
	[bflag:$0x2] =	sbarrier.arrive $0xFFFF  }
0xd3: {  	[sflag:s0] =	ssyncadd.tile.s32 @!p0 $0x1;
	_ =	shalt  }
.Lfunc_end2:
_tile_overlayer_lowered:
.L_overlay_start_2:
0xd4: {  	(tag) =	ssettag $0x2  }
0xd5: {  	s0 =	rddreg [dreg:$0x0];
	s2 =	stileid.u32  }
0xd6: {  	s1 =	rddreg [dreg:$0x1];
	p0 =	sne.s32 s2, $0x0  }
0xd7: {  	s3 =	rddreg [dreg:$0x2];
	[bflag:$0x3] =	sbarrier.arrive $0xFFFF;
	s2 =	simm.s32 @!p0 $0x1C02  }
0xd8: {  	[timem:s3], [sflag:s2] =	dma.local @!p0 [hbm:s0], s1  }
0xd9: {  	s0 =	simm.s32 @!p0 $0x2  }
0xda: {  	_ =	swait.ge @!p0 [sflag:s0], s1  }
0xdb: {  	s1 =	ssub.s32 @!p0 $0x0, s1;
	[sflag:s0] =	ssyncset.done @!p0 $0x0  }
0xdc: {  	[sflag:s0] =	ssyncadd.s32 @!p0 s1  }
0xdd: {  	[bflag:$0x3] =	sbarrier.arrive $0xFFFF  }
0xde: {  	_ =	shalt  }

</sc_bundles>
